<compile_context>
chip_gen: v7x
topology: tpu7x:2x2x1
jax: 0.10.2.dev20260603
libtpu: 0.0.44.dev20260713+nightly
codegen_flags: <defaults>
</compile_context>

<pallas_src>
import functools

import jax
import jax.numpy as jnp
from jax.experimental import pallas as pl
from jax.experimental.pallas import tpu as pltpu

_N = 50000
_E = 1600000
_S = 4
_B = 16
_NMAX = 4
_H = 128
_RC = 5.0
_AB = 512
_NPAD = ((_N + _AB - 1) // _AB) * _AB


def _mlp_body(cf_ref, sp_ref, st_ref, w1_ref, w2_ref, wc_ref, out_ref):
    step = pl.program_id(0)
    cf = cf_ref[...]
    c0 = jnp.concatenate([cf[:, 16 * s + 0:16 * s + 4] for s in range(_S)], axis=1)
    c1x = jnp.concatenate([cf[:, 16 * s + 4:16 * s + 8] for s in range(_S)], axis=1)
    c1y = jnp.concatenate([cf[:, 16 * s + 8:16 * s + 12] for s in range(_S)], axis=1)
    c1z = jnp.concatenate([cf[:, 16 * s + 12:16 * s + 16] for s in range(_S)], axis=1)
    p0 = jnp.concatenate([c0[:, a:a + 1] * c0 for a in range(16)], axis=1)
    p1 = jnp.concatenate(
        [c1x[:, a:a + 1] * c1x + c1y[:, a:a + 1] * c1y + c1z[:, a:a + 1] * c1z
         for a in range(16)], axis=1)
    ps = jnp.concatenate([p0, p1], axis=1)
    sp = sp_ref[...]
    w2 = w2_ref[...]
    acc = jnp.zeros((cf.shape[0],), jnp.float32)
    for s in range(_S):
        h = jnp.dot(ps, w1_ref[s], preferred_element_type=jnp.float32)
        h = h * jax.nn.sigmoid(h)
        o = jnp.sum(h * w2[s][None, :], axis=1)
        acc = acc + o * sp[:, s]
    acc = acc + jnp.sum(sp * wc_ref[...], axis=1)
    part = jnp.sum(acc[:, None] * st_ref[...], axis=0)

    @pl.when(step == 0)
    def _():
        out_ref[...] = jnp.zeros_like(out_ref)

    out_ref[...] += part[None, :]


def _stage2(cfull, sp_oh, st_oh, w1, w2, wc):
    grid = (_NPAD // _AB,)
    return pl.pallas_call(
        _mlp_body,
        grid=grid,
        in_specs=[
            pl.BlockSpec((_AB, 64), lambda i: (i, 0)),
            pl.BlockSpec((_AB, _S), lambda i: (i, 0)),
            pl.BlockSpec((_AB, _B), lambda i: (i, 0)),
            pl.BlockSpec((_S, 512, _H), lambda i: (0, 0, 0)),
            pl.BlockSpec((_S, _H), lambda i: (0, 0)),
            pl.BlockSpec((1, _S), lambda i: (0, 0)),
        ],
        out_specs=pl.BlockSpec((1, _B), lambda i: (0, 0)),
        out_shape=jax.ShapeDtypeStruct((1, _B), jnp.float32),
        compiler_params=pltpu.CompilerParams(
            dimension_semantics=("arbitrary",)),
    )(cfull, sp_oh, st_oh, w1, w2, wc)


def kernel(positions, cells, numbers, edge_indices, edge_shifts, ptr, W_comp, W1, W2):
    del cells, edge_shifts
    i = edge_indices[0]
    j = edge_indices[1]
    rij = positions[j] - positions[i]
    d2 = jnp.sum(rij * rij, axis=-1) + 1e-12
    d = jnp.sqrt(d2)
    fc = 0.5 * (jnp.cos(jnp.pi * jnp.clip(d, 0.0, _RC) / _RC) + 1.0) * (d < _RC).astype(jnp.float32)
    nn = jnp.arange(1, _NMAX + 1, dtype=jnp.float32)
    rad = jnp.sin(nn[None, :] * jnp.pi * d[:, None] / _RC) / d[:, None] * fc[:, None]
    rhat = rij / d[:, None]
    ang = jnp.concatenate(
        [jnp.full((_E, 1), 0.28209479177, dtype=jnp.float32), 0.48860251190 * rhat], axis=1)
    contrib = (ang[:, :, None] * rad[:, None, :]).reshape(_E, 16)
    key = i * _S + numbers[j]
    cfull = jnp.zeros((_NPAD * _S, 16), jnp.float32).at[key].add(contrib).reshape(_NPAD, 64)

    struct_id = jnp.clip(jnp.searchsorted(ptr, jnp.arange(_N), side='right') - 1, 0, _B - 1)
    sp_oh = jnp.zeros((_NPAD, _S), jnp.float32).at[jnp.arange(_N), numbers].set(1.0)
    st_oh = jnp.zeros((_NPAD, _B), jnp.float32).at[jnp.arange(_N), struct_id].set(1.0)
    w2 = W2[:, :, 0]
    out = _stage2(cfull, sp_oh, st_oh, W1, w2, W_comp)
    return out.reshape(_B, 1)

# --- scband reference (transcript-rebuilt; emitter-appended) ---
"""Pipeline reference for scband-bppsmodel-76605036692303 (READ-ONLY COPY).

The authoritative reference and input builder live on the scoring server;
editing this copy changes nothing except your own understanding.
"""

import jax, jax.numpy as jnp
import numpy as np

N = 50000
E = 1600000
S = 4
B = 16
NMAX = 4
H = 128
RC = 5.0
F = 2 * (S * NMAX) ** 2


def setup_inputs(seed: int = 0):
    key = jax.random.key(seed)
    ks = jax.random.split(key, 10)
    positions = jax.random.normal(ks[0], (N, 3), dtype=jnp.float32) * 3.0
    cells = jnp.tile(jnp.eye(3, dtype=jnp.float32)[None] * 20.0, (B, 1, 1)) + 0.01 * jax.random.normal(ks[1], (B, 3, 3), dtype=jnp.float32)
    numbers = jax.random.randint(ks[2], (N,), 0, S)
    edge_indices = jax.random.randint(ks[3], (2, E), 0, N)
    edge_shifts = jnp.zeros((E, 3), dtype=jnp.float32)
    interior = jnp.sort(jax.random.randint(ks[4], (B - 1,), 0, N))
    ptr = jnp.concatenate([jnp.zeros((1,), dtype=interior.dtype), interior, jnp.full((1,), N, dtype=interior.dtype)])
    W_comp = jax.random.normal(ks[5], (1, S), dtype=jnp.float32) * 0.1
    W1 = jax.random.normal(ks[6], (S, F, H), dtype=jnp.float32) / np.sqrt(F)
    W2 = jax.random.normal(ks[7], (S, H, 1), dtype=jnp.float32) / np.sqrt(H)
    return {"positions": positions, "cells": cells, "numbers": numbers, "edge_indices": edge_indices, "edge_shifts": edge_shifts, "ptr": ptr, "W_comp": W_comp, "W1": W1, "W2": W2}


def _forward(positions, cells, edge_shifts, W_comp, W1, W2, numbers, edge_indices, ptr):
    struct_id = jnp.clip(jnp.searchsorted(ptr, jnp.arange(N), side='right') - 1, 0, B - 1)
    # composition term: per-structure species counts -> linear (no bias)
    onehot = jax.nn.one_hot(numbers, S, dtype=jnp.float32)
    comp = jax.ops.segment_sum(onehot, struct_id, num_segments=B)
    energies = comp @ W_comp.T
    # power-spectrum features from neighbor list
    i = edge_indices[0]
    j = edge_indices[1]
    shift_cart = jnp.einsum('ek,ekl->el', edge_shifts, cells[struct_id[i]])
    rij = positions[j] - positions[i] + shift_cart
    d = jnp.sqrt(jnp.sum(rij * rij, axis=-1) + 1e-12)
    fc = 0.5 * (jnp.cos(jnp.pi * jnp.clip(d, 0.0, RC) / RC) + 1.0) * (d < RC).astype(jnp.float32)
    nn = jnp.arange(1, NMAX + 1, dtype=jnp.float32)
    rad = jnp.sin(nn[None, :] * jnp.pi * d[:, None] / RC) / d[:, None] * fc[:, None]
    rhat = rij / d[:, None]
    ang = jnp.concatenate([jnp.full((E, 1), 0.28209479177, dtype=jnp.float32), 0.48860251190 * rhat], axis=1)
    contrib = rad[:, :, None] * ang[:, None, :]
    key_idx = i * S + numbers[j]
    c = jnp.zeros((N * S, NMAX, 4), dtype=jnp.float32).at[key_idx].add(contrib)
    c = c.reshape(N, S * NMAX, 4)
    c0 = c[:, :, 0]
    c1 = c[:, :, 1:4]
    p0 = jnp.einsum('na,nb->nab', c0, c0).reshape(N, -1)
    p1 = jnp.einsum('nam,nbm->nab', c1, c1).reshape(N, -1)
    ps = jnp.concatenate([p0, p1], axis=1)
    # per-species (LinearMap keyed on a_i) MLP with SiLU
    rows = jnp.arange(N)
    h = jnp.einsum('nf,sfh->snh', ps, W1)[numbers, rows]
    h = h * jax.nn.sigmoid(h)
    out = jnp.einsum('nh,sho->sno', h, W2)[numbers, rows]
    # sum_over_samples over ('center', 'a_i') -> per-structure energy
    atomic = jax.ops.segment_sum(out, struct_id, num_segments=B)
    return energies + atomic


def reference(positions, cells, numbers, edge_indices, edge_shifts, ptr, W_comp, W1, W2):
    return _forward(positions, cells, edge_shifts, W_comp, W1, W2, numbers, edge_indices, ptr)

if __name__ == "__main__":
    import jax
    _d = setup_inputs()
    print(jax.jit(kernel)(*tuple(_d.values())))

</pallas_src>

<mosaic_0001>
module attributes {stable_mosaic.version = 14 : i64} {
  func.func @_mlp_body(%arg0: i32, %arg1: memref<512x64xf32, #tpu.memory_space<vmem>>, %arg2: memref<512x4xf32, #tpu.memory_space<vmem>>, %arg3: memref<512x16xf32, #tpu.memory_space<vmem>>, %arg4: memref<4x512x128xf32, #tpu.memory_space<vmem>>, %arg5: memref<4x128xf32, #tpu.memory_space<vmem>>, %arg6: memref<1x4xf32, #tpu.memory_space<vmem>>, %arg7: memref<1x16xf32, #tpu.memory_space<vmem>>) attributes {dimension_semantics = [#tpu.dimension_semantics<arbitrary>], iteration_bounds = array<i64: 98>, scalar_prefetch = 0 : i64, scratch_operands = 0 : i64, tpu.core_type = #tpu.core_type<tc>, window_params = [{transform_indices = @transform_0, window_bounds = array<i64: 512, 64>}, {transform_indices = @transform_1, window_bounds = array<i64: 512, 4>}, {transform_indices = @transform_2, window_bounds = array<i64: 512, 16>}, {pipeline_mode = #tpu.pipeline_mode<synchronous>, transform_indices = @transform_3, window_bounds = array<i64: 4, 512, 128>}, {pipeline_mode = #tpu.pipeline_mode<synchronous>, transform_indices = @transform_4, window_bounds = array<i64: 4, 128>}, {pipeline_mode = #tpu.pipeline_mode<synchronous>, transform_indices = @transform_5, window_bounds = array<i64: 1, 4>}, {pipeline_mode = #tpu.pipeline_mode<synchronous>, transform_indices = @transform_6, window_bounds = array<i64: 1, 16>}]} {
    %get3A = arith.constant 0 : index
    %get3A_0 = arith.constant 0 : index
    %get3A_1 = vector.load %arg1[%get3A, %get3A_0] : memref<512x64xf32, #tpu.memory_space<vmem>>, vector<512x64xf32>
    %slice3A = vector.extract_strided_slice %get3A_1 {offsets = [0, 0], sizes = [512, 4], strides = [1, 1]} : vector<512x64xf32> to vector<512x4xf32>
    %slice3A_2 = vector.extract_strided_slice %get3A_1 {offsets = [0, 16], sizes = [512, 4], strides = [1, 1]} : vector<512x64xf32> to vector<512x4xf32>
    %slice3A_3 = vector.extract_strided_slice %get3A_1 {offsets = [0, 32], sizes = [512, 4], strides = [1, 1]} : vector<512x64xf32> to vector<512x4xf32>
    %slice3A_4 = vector.extract_strided_slice %get3A_1 {offsets = [0, 48], sizes = [512, 4], strides = [1, 1]} : vector<512x64xf32> to vector<512x4xf32>
    %concatenate3A = tpu.concatenate %slice3A, %slice3A_2, %slice3A_3, %slice3A_4 in 1 : vector<512x4xf32>, vector<512x4xf32>, vector<512x4xf32>, vector<512x4xf32> -> vector<512x16xf32>
    %slice3A_5 = vector.extract_strided_slice %get3A_1 {offsets = [0, 4], sizes = [512, 4], strides = [1, 1]} : vector<512x64xf32> to vector<512x4xf32>
    %slice3A_6 = vector.extract_strided_slice %get3A_1 {offsets = [0, 20], sizes = [512, 4], strides = [1, 1]} : vector<512x64xf32> to vector<512x4xf32>
    %slice3A_7 = vector.extract_strided_slice %get3A_1 {offsets = [0, 36], sizes = [512, 4], strides = [1, 1]} : vector<512x64xf32> to vector<512x4xf32>
    %slice3A_8 = vector.extract_strided_slice %get3A_1 {offsets = [0, 52], sizes = [512, 4], strides = [1, 1]} : vector<512x64xf32> to vector<512x4xf32>
    %concatenate3A_9 = tpu.concatenate %slice3A_5, %slice3A_6, %slice3A_7, %slice3A_8 in 1 : vector<512x4xf32>, vector<512x4xf32>, vector<512x4xf32>, vector<512x4xf32> -> vector<512x16xf32>
    %slice3A_10 = vector.extract_strided_slice %get3A_1 {offsets = [0, 8], sizes = [512, 4], strides = [1, 1]} : vector<512x64xf32> to vector<512x4xf32>
    %slice3A_11 = vector.extract_strided_slice %get3A_1 {offsets = [0, 24], sizes = [512, 4], strides = [1, 1]} : vector<512x64xf32> to vector<512x4xf32>
    %slice3A_12 = vector.extract_strided_slice %get3A_1 {offsets = [0, 40], sizes = [512, 4], strides = [1, 1]} : vector<512x64xf32> to vector<512x4xf32>
    %slice3A_13 = vector.extract_strided_slice %get3A_1 {offsets = [0, 56], sizes = [512, 4], strides = [1, 1]} : vector<512x64xf32> to vector<512x4xf32>
    %concatenate3A_14 = tpu.concatenate %slice3A_10, %slice3A_11, %slice3A_12, %slice3A_13 in 1 : vector<512x4xf32>, vector<512x4xf32>, vector<512x4xf32>, vector<512x4xf32> -> vector<512x16xf32>
    %slice3A_15 = vector.extract_strided_slice %get3A_1 {offsets = [0, 12], sizes = [512, 4], strides = [1, 1]} : vector<512x64xf32> to vector<512x4xf32>
    %slice3A_16 = vector.extract_strided_slice %get3A_1 {offsets = [0, 28], sizes = [512, 4], strides = [1, 1]} : vector<512x64xf32> to vector<512x4xf32>
    %slice3A_17 = vector.extract_strided_slice %get3A_1 {offsets = [0, 44], sizes = [512, 4], strides = [1, 1]} : vector<512x64xf32> to vector<512x4xf32>
    %slice3A_18 = vector.extract_strided_slice %get3A_1 {offsets = [0, 60], sizes = [512, 4], strides = [1, 1]} : vector<512x64xf32> to vector<512x4xf32>
    %concatenate3A_19 = tpu.concatenate %slice3A_15, %slice3A_16, %slice3A_17, %slice3A_18 in 1 : vector<512x4xf32>, vector<512x4xf32>, vector<512x4xf32>, vector<512x4xf32> -> vector<512x16xf32>
    %slice3A_20 = vector.extract_strided_slice %concatenate3A {offsets = [0, 0], sizes = [512, 1], strides = [1, 1]} : vector<512x16xf32> to vector<512x1xf32>
    %mul3A = vector.broadcast %slice3A_20 : vector<512x1xf32> to vector<512x16xf32>
    %mul3A_21 = arith.mulf %mul3A, %concatenate3A : vector<512x16xf32>
    %slice3A_22 = vector.extract_strided_slice %concatenate3A {offsets = [0, 1], sizes = [512, 1], strides = [1, 1]} : vector<512x16xf32> to vector<512x1xf32>
    %mul3A_23 = vector.broadcast %slice3A_22 : vector<512x1xf32> to vector<512x16xf32>
    %mul3A_24 = arith.mulf %mul3A_23, %concatenate3A : vector<512x16xf32>
    %slice3A_25 = vector.extract_strided_slice %concatenate3A {offsets = [0, 2], sizes = [512, 1], strides = [1, 1]} : vector<512x16xf32> to vector<512x1xf32>
    %mul3A_26 = vector.broadcast %slice3A_25 : vector<512x1xf32> to vector<512x16xf32>
    %mul3A_27 = arith.mulf %mul3A_26, %concatenate3A : vector<512x16xf32>
    %slice3A_28 = vector.extract_strided_slice %concatenate3A {offsets = [0, 3], sizes = [512, 1], strides = [1, 1]} : vector<512x16xf32> to vector<512x1xf32>
    %mul3A_29 = vector.broadcast %slice3A_28 : vector<512x1xf32> to vector<512x16xf32>
    %mul3A_30 = arith.mulf %mul3A_29, %concatenate3A : vector<512x16xf32>
    %slice3A_31 = vector.extract_strided_slice %concatenate3A {offsets = [0, 4], sizes = [512, 1], strides = [1, 1]} : vector<512x16xf32> to vector<512x1xf32>
    %mul3A_32 = vector.broadcast %slice3A_31 : vector<512x1xf32> to vector<512x16xf32>
    %mul3A_33 = arith.mulf %mul3A_32, %concatenate3A : vector<512x16xf32>
    %slice3A_34 = vector.extract_strided_slice %concatenate3A {offsets = [0, 5], sizes = [512, 1], strides = [1, 1]} : vector<512x16xf32> to vector<512x1xf32>
    %mul3A_35 = vector.broadcast %slice3A_34 : vector<512x1xf32> to vector<512x16xf32>
    %mul3A_36 = arith.mulf %mul3A_35, %concatenate3A : vector<512x16xf32>
    %slice3A_37 = vector.extract_strided_slice %concatenate3A {offsets = [0, 6], sizes = [512, 1], strides = [1, 1]} : vector<512x16xf32> to vector<512x1xf32>
    %mul3A_38 = vector.broadcast %slice3A_37 : vector<512x1xf32> to vector<512x16xf32>
    %mul3A_39 = arith.mulf %mul3A_38, %concatenate3A : vector<512x16xf32>
    %slice3A_40 = vector.extract_strided_slice %concatenate3A {offsets = [0, 7], sizes = [512, 1], strides = [1, 1]} : vector<512x16xf32> to vector<512x1xf32>
    %mul3A_41 = vector.broadcast %slice3A_40 : vector<512x1xf32> to vector<512x16xf32>
    %mul3A_42 = arith.mulf %mul3A_41, %concatenate3A : vector<512x16xf32>
    %slice3A_43 = vector.extract_strided_slice %concatenate3A {offsets = [0, 8], sizes = [512, 1], strides = [1, 1]} : vector<512x16xf32> to vector<512x1xf32>
    %mul3A_44 = vector.broadcast %slice3A_43 : vector<512x1xf32> to vector<512x16xf32>
    %mul3A_45 = arith.mulf %mul3A_44, %concatenate3A : vector<512x16xf32>
    %slice3A_46 = vector.extract_strided_slice %concatenate3A {offsets = [0, 9], sizes = [512, 1], strides = [1, 1]} : vector<512x16xf32> to vector<512x1xf32>
    %mul3A_47 = vector.broadcast %slice3A_46 : vector<512x1xf32> to vector<512x16xf32>
    %mul3A_48 = arith.mulf %mul3A_47, %concatenate3A : vector<512x16xf32>
    %slice3A_49 = vector.extract_strided_slice %concatenate3A {offsets = [0, 10], sizes = [512, 1], strides = [1, 1]} : vector<512x16xf32> to vector<512x1xf32>
    %mul3A_50 = vector.broadcast %slice3A_49 : vector<512x1xf32> to vector<512x16xf32>
    %mul3A_51 = arith.mulf %mul3A_50, %concatenate3A : vector<512x16xf32>
    %slice3A_52 = vector.extract_strided_slice %concatenate3A {offsets = [0, 11], sizes = [512, 1], strides = [1, 1]} : vector<512x16xf32> to vector<512x1xf32>
    %mul3A_53 = vector.broadcast %slice3A_52 : vector<512x1xf32> to vector<512x16xf32>
    %mul3A_54 = arith.mulf %mul3A_53, %concatenate3A : vector<512x16xf32>
    %slice3A_55 = vector.extract_strided_slice %concatenate3A {offsets = [0, 12], sizes = [512, 1], strides = [1, 1]} : vector<512x16xf32> to vector<512x1xf32>
    %mul3A_56 = vector.broadcast %slice3A_55 : vector<512x1xf32> to vector<512x16xf32>
    %mul3A_57 = arith.mulf %mul3A_56, %concatenate3A : vector<512x16xf32>
    %slice3A_58 = vector.extract_strided_slice %concatenate3A {offsets = [0, 13], sizes = [512, 1], strides = [1, 1]} : vector<512x16xf32> to vector<512x1xf32>
    %mul3A_59 = vector.broadcast %slice3A_58 : vector<512x1xf32> to vector<512x16xf32>
    %mul3A_60 = arith.mulf %mul3A_59, %concatenate3A : vector<512x16xf32>
    %slice3A_61 = vector.extract_strided_slice %concatenate3A {offsets = [0, 14], sizes = [512, 1], strides = [1, 1]} : vector<512x16xf32> to vector<512x1xf32>
    %mul3A_62 = vector.broadcast %slice3A_61 : vector<512x1xf32> to vector<512x16xf32>
    %mul3A_63 = arith.mulf %mul3A_62, %concatenate3A : vector<512x16xf32>
    %slice3A_64 = vector.extract_strided_slice %concatenate3A {offsets = [0, 15], sizes = [512, 1], strides = [1, 1]} : vector<512x16xf32> to vector<512x1xf32>
    %mul3A_65 = vector.broadcast %slice3A_64 : vector<512x1xf32> to vector<512x16xf32>
    %mul3A_66 = arith.mulf %mul3A_65, %concatenate3A : vector<512x16xf32>
    %concatenate3A_67 = tpu.concatenate %mul3A_21, %mul3A_24, %mul3A_27, %mul3A_30, %mul3A_33, %mul3A_36, %mul3A_39, %mul3A_42, %mul3A_45, %mul3A_48, %mul3A_51, %mul3A_54, %mul3A_57, %mul3A_60, %mul3A_63, %mul3A_66 in 1 : vector<512x16xf32>, vector<512x16xf32>, vector<512x16xf32>, vector<512x16xf32>, vector<512x16xf32>, vector<512x16xf32>, vector<512x16xf32>, vector<512x16xf32>, vector<512x16xf32>, vector<512x16xf32>, vector<512x16xf32>, vector<512x16xf32>, vector<512x16xf32>, vector<512x16xf32>, vector<512x16xf32>, vector<512x16xf32> -> vector<512x256xf32>
    %slice3A_68 = vector.extract_strided_slice %concatenate3A_9 {offsets = [0, 0], sizes = [512, 1], strides = [1, 1]} : vector<512x16xf32> to vector<512x1xf32>
    %mul3A_69 = vector.broadcast %slice3A_68 : vector<512x1xf32> to vector<512x16xf32>
    %mul3A_70 = arith.mulf %mul3A_69, %concatenate3A_9 : vector<512x16xf32>
    %slice3A_71 = vector.extract_strided_slice %concatenate3A_14 {offsets = [0, 0], sizes = [512, 1], strides = [1, 1]} : vector<512x16xf32> to vector<512x1xf32>
    %mul3A_72 = vector.broadcast %slice3A_71 : vector<512x1xf32> to vector<512x16xf32>
    %mul3A_73 = arith.mulf %mul3A_72, %concatenate3A_14 : vector<512x16xf32>
    %add3A = arith.addf %mul3A_70, %mul3A_73 : vector<512x16xf32>
    %slice3A_74 = vector.extract_strided_slice %concatenate3A_19 {offsets = [0, 0], sizes = [512, 1], strides = [1, 1]} : vector<512x16xf32> to vector<512x1xf32>
    %mul3A_75 = vector.broadcast %slice3A_74 : vector<512x1xf32> to vector<512x16xf32>
    %mul3A_76 = arith.mulf %mul3A_75, %concatenate3A_19 : vector<512x16xf32>
    %add3A_77 = arith.addf %add3A, %mul3A_76 : vector<512x16xf32>
    %slice3A_78 = vector.extract_strided_slice %concatenate3A_9 {offsets = [0, 1], sizes = [512, 1], strides = [1, 1]} : vector<512x16xf32> to vector<512x1xf32>
    %mul3A_79 = vector.broadcast %slice3A_78 : vector<512x1xf32> to vector<512x16xf32>
    %mul3A_80 = arith.mulf %mul3A_79, %concatenate3A_9 : vector<512x16xf32>
    %slice3A_81 = vector.extract_strided_slice %concatenate3A_14 {offsets = [0, 1], sizes = [512, 1], strides = [1, 1]} : vector<512x16xf32> to vector<512x1xf32>
    %mul3A_82 = vector.broadcast %slice3A_81 : vector<512x1xf32> to vector<512x16xf32>
    %mul3A_83 = arith.mulf %mul3A_82, %concatenate3A_14 : vector<512x16xf32>
    %add3A_84 = arith.addf %mul3A_80, %mul3A_83 : vector<512x16xf32>
    %slice3A_85 = vector.extract_strided_slice %concatenate3A_19 {offsets = [0, 1], sizes = [512, 1], strides = [1, 1]} : vector<512x16xf32> to vector<512x1xf32>
    %mul3A_86 = vector.broadcast %slice3A_85 : vector<512x1xf32> to vector<512x16xf32>
    %mul3A_87 = arith.mulf %mul3A_86, %concatenate3A_19 : vector<512x16xf32>
    %add3A_88 = arith.addf %add3A_84, %mul3A_87 : vector<512x16xf32>
    %slice3A_89 = vector.extract_strided_slice %concatenate3A_9 {offsets = [0, 2], sizes = [512, 1], strides = [1, 1]} : vector<512x16xf32> to vector<512x1xf32>
    %mul3A_90 = vector.broadcast %slice3A_89 : vector<512x1xf32> to vector<512x16xf32>
    %mul3A_91 = arith.mulf %mul3A_90, %concatenate3A_9 : vector<512x16xf32>
    %slice3A_92 = vector.extract_strided_slice %concatenate3A_14 {offsets = [0, 2], sizes = [512, 1], strides = [1, 1]} : vector<512x16xf32> to vector<512x1xf32>
    %mul3A_93 = vector.broadcast %slice3A_92 : vector<512x1xf32> to vector<512x16xf32>
    %mul3A_94 = arith.mulf %mul3A_93, %concatenate3A_14 : vector<512x16xf32>
    %add3A_95 = arith.addf %mul3A_91, %mul3A_94 : vector<512x16xf32>
    %slice3A_96 = vector.extract_strided_slice %concatenate3A_19 {offsets = [0, 2], sizes = [512, 1], strides = [1, 1]} : vector<512x16xf32> to vector<512x1xf32>
    %mul3A_97 = vector.broadcast %slice3A_96 : vector<512x1xf32> to vector<512x16xf32>
    %mul3A_98 = arith.mulf %mul3A_97, %concatenate3A_19 : vector<512x16xf32>
    %add3A_99 = arith.addf %add3A_95, %mul3A_98 : vector<512x16xf32>
    %slice3A_100 = vector.extract_strided_slice %concatenate3A_9 {offsets = [0, 3], sizes = [512, 1], strides = [1, 1]} : vector<512x16xf32> to vector<512x1xf32>
    %mul3A_101 = vector.broadcast %slice3A_100 : vector<512x1xf32> to vector<512x16xf32>
    %mul3A_102 = arith.mulf %mul3A_101, %concatenate3A_9 : vector<512x16xf32>
    %slice3A_103 = vector.extract_strided_slice %concatenate3A_14 {offsets = [0, 3], sizes = [512, 1], strides = [1, 1]} : vector<512x16xf32> to vector<512x1xf32>
    %mul3A_104 = vector.broadcast %slice3A_103 : vector<512x1xf32> to vector<512x16xf32>
    %mul3A_105 = arith.mulf %mul3A_104, %concatenate3A_14 : vector<512x16xf32>
    %add3A_106 = arith.addf %mul3A_102, %mul3A_105 : vector<512x16xf32>
    %slice3A_107 = vector.extract_strided_slice %concatenate3A_19 {offsets = [0, 3], sizes = [512, 1], strides = [1, 1]} : vector<512x16xf32> to vector<512x1xf32>
    %mul3A_108 = vector.broadcast %slice3A_107 : vector<512x1xf32> to vector<512x16xf32>
    %mul3A_109 = arith.mulf %mul3A_108, %concatenate3A_19 : vector<512x16xf32>
    %add3A_110 = arith.addf %add3A_106, %mul3A_109 : vector<512x16xf32>
    %slice3A_111 = vector.extract_strided_slice %concatenate3A_9 {offsets = [0, 4], sizes = [512, 1], strides = [1, 1]} : vector<512x16xf32> to vector<512x1xf32>
    %mul3A_112 = vector.broadcast %slice3A_111 : vector<512x1xf32> to vector<512x16xf32>
    %mul3A_113 = arith.mulf %mul3A_112, %concatenate3A_9 : vector<512x16xf32>
    %slice3A_114 = vector.extract_strided_slice %concatenate3A_14 {offsets = [0, 4], sizes = [512, 1], strides = [1, 1]} : vector<512x16xf32> to vector<512x1xf32>
    %mul3A_115 = vector.broadcast %slice3A_114 : vector<512x1xf32> to vector<512x16xf32>
    %mul3A_116 = arith.mulf %mul3A_115, %concatenate3A_14 : vector<512x16xf32>
    %add3A_117 = arith.addf %mul3A_113, %mul3A_116 : vector<512x16xf32>
    %slice3A_118 = vector.extract_strided_slice %concatenate3A_19 {offsets = [0, 4], sizes = [512, 1], strides = [1, 1]} : vector<512x16xf32> to vector<512x1xf32>
    %mul3A_119 = vector.broadcast %slice3A_118 : vector<512x1xf32> to vector<512x16xf32>
    %mul3A_120 = arith.mulf %mul3A_119, %concatenate3A_19 : vector<512x16xf32>
    %add3A_121 = arith.addf %add3A_117, %mul3A_120 : vector<512x16xf32>
    %slice3A_122 = vector.extract_strided_slice %concatenate3A_9 {offsets = [0, 5], sizes = [512, 1], strides = [1, 1]} : vector<512x16xf32> to vector<512x1xf32>
    %mul3A_123 = vector.broadcast %slice3A_122 : vector<512x1xf32> to vector<512x16xf32>
    %mul3A_124 = arith.mulf %mul3A_123, %concatenate3A_9 : vector<512x16xf32>
    %slice3A_125 = vector.extract_strided_slice %concatenate3A_14 {offsets = [0, 5], sizes = [512, 1], strides = [1, 1]} : vector<512x16xf32> to vector<512x1xf32>
    %mul3A_126 = vector.broadcast %slice3A_125 : vector<512x1xf32> to vector<512x16xf32>
    %mul3A_127 = arith.mulf %mul3A_126, %concatenate3A_14 : vector<512x16xf32>
    %add3A_128 = arith.addf %mul3A_124, %mul3A_127 : vector<512x16xf32>
    %slice3A_129 = vector.extract_strided_slice %concatenate3A_19 {offsets = [0, 5], sizes = [512, 1], strides = [1, 1]} : vector<512x16xf32> to vector<512x1xf32>
    %mul3A_130 = vector.broadcast %slice3A_129 : vector<512x1xf32> to vector<512x16xf32>
    %mul3A_131 = arith.mulf %mul3A_130, %concatenate3A_19 : vector<512x16xf32>
    %add3A_132 = arith.addf %add3A_128, %mul3A_131 : vector<512x16xf32>
    %slice3A_133 = vector.extract_strided_slice %concatenate3A_9 {offsets = [0, 6], sizes = [512, 1], strides = [1, 1]} : vector<512x16xf32> to vector<512x1xf32>
    %mul3A_134 = vector.broadcast %slice3A_133 : vector<512x1xf32> to vector<512x16xf32>
    %mul3A_135 = arith.mulf %mul3A_134, %concatenate3A_9 : vector<512x16xf32>
    %slice3A_136 = vector.extract_strided_slice %concatenate3A_14 {offsets = [0, 6], sizes = [512, 1], strides = [1, 1]} : vector<512x16xf32> to vector<512x1xf32>
    %mul3A_137 = vector.broadcast %slice3A_136 : vector<512x1xf32> to vector<512x16xf32>
    %mul3A_138 = arith.mulf %mul3A_137, %concatenate3A_14 : vector<512x16xf32>
    %add3A_139 = arith.addf %mul3A_135, %mul3A_138 : vector<512x16xf32>
    %slice3A_140 = vector.extract_strided_slice %concatenate3A_19 {offsets = [0, 6], sizes = [512, 1], strides = [1, 1]} : vector<512x16xf32> to vector<512x1xf32>
    %mul3A_141 = vector.broadcast %slice3A_140 : vector<512x1xf32> to vector<512x16xf32>
    %mul3A_142 = arith.mulf %mul3A_141, %concatenate3A_19 : vector<512x16xf32>
    %add3A_143 = arith.addf %add3A_139, %mul3A_142 : vector<512x16xf32>
    %slice3A_144 = vector.extract_strided_slice %concatenate3A_9 {offsets = [0, 7], sizes = [512, 1], strides = [1, 1]} : vector<512x16xf32> to vector<512x1xf32>
    %mul3A_145 = vector.broadcast %slice3A_144 : vector<512x1xf32> to vector<512x16xf32>
    %mul3A_146 = arith.mulf %mul3A_145, %concatenate3A_9 : vector<512x16xf32>
    %slice3A_147 = vector.extract_strided_slice %concatenate3A_14 {offsets = [0, 7], sizes = [512, 1], strides = [1, 1]} : vector<512x16xf32> to vector<512x1xf32>
    %mul3A_148 = vector.broadcast %slice3A_147 : vector<512x1xf32> to vector<512x16xf32>
    %mul3A_149 = arith.mulf %mul3A_148, %concatenate3A_14 : vector<512x16xf32>
    %add3A_150 = arith.addf %mul3A_146, %mul3A_149 : vector<512x16xf32>
    %slice3A_151 = vector.extract_strided_slice %concatenate3A_19 {offsets = [0, 7], sizes = [512, 1], strides = [1, 1]} : vector<512x16xf32> to vector<512x1xf32>
    %mul3A_152 = vector.broadcast %slice3A_151 : vector<512x1xf32> to vector<512x16xf32>
    %mul3A_153 = arith.mulf %mul3A_152, %concatenate3A_19 : vector<512x16xf32>
    %add3A_154 = arith.addf %add3A_150, %mul3A_153 : vector<512x16xf32>
    %slice3A_155 = vector.extract_strided_slice %concatenate3A_9 {offsets = [0, 8], sizes = [512, 1], strides = [1, 1]} : vector<512x16xf32> to vector<512x1xf32>
    %mul3A_156 = vector.broadcast %slice3A_155 : vector<512x1xf32> to vector<512x16xf32>
    %mul3A_157 = arith.mulf %mul3A_156, %concatenate3A_9 : vector<512x16xf32>
    %slice3A_158 = vector.extract_strided_slice %concatenate3A_14 {offsets = [0, 8], sizes = [512, 1], strides = [1, 1]} : vector<512x16xf32> to vector<512x1xf32>
    %mul3A_159 = vector.broadcast %slice3A_158 : vector<512x1xf32> to vector<512x16xf32>
    %mul3A_160 = arith.mulf %mul3A_159, %concatenate3A_14 : vector<512x16xf32>
    %add3A_161 = arith.addf %mul3A_157, %mul3A_160 : vector<512x16xf32>
    %slice3A_162 = vector.extract_strided_slice %concatenate3A_19 {offsets = [0, 8], sizes = [512, 1], strides = [1, 1]} : vector<512x16xf32> to vector<512x1xf32>
    %mul3A_163 = vector.broadcast %slice3A_162 : vector<512x1xf32> to vector<512x16xf32>
    %mul3A_164 = arith.mulf %mul3A_163, %concatenate3A_19 : vector<512x16xf32>
    %add3A_165 = arith.addf %add3A_161, %mul3A_164 : vector<512x16xf32>
    %slice3A_166 = vector.extract_strided_slice %concatenate3A_9 {offsets = [0, 9], sizes = [512, 1], strides = [1, 1]} : vector<512x16xf32> to vector<512x1xf32>
    %mul3A_167 = vector.broadcast %slice3A_166 : vector<512x1xf32> to vector<512x16xf32>
    %mul3A_168 = arith.mulf %mul3A_167, %concatenate3A_9 : vector<512x16xf32>
    %slice3A_169 = vector.extract_strided_slice %concatenate3A_14 {offsets = [0, 9], sizes = [512, 1], strides = [1, 1]} : vector<512x16xf32> to vector<512x1xf32>
    %mul3A_170 = vector.broadcast %slice3A_169 : vector<512x1xf32> to vector<512x16xf32>
    %mul3A_171 = arith.mulf %mul3A_170, %concatenate3A_14 : vector<512x16xf32>
    %add3A_172 = arith.addf %mul3A_168, %mul3A_171 : vector<512x16xf32>
    %slice3A_173 = vector.extract_strided_slice %concatenate3A_19 {offsets = [0, 9], sizes = [512, 1], strides = [1, 1]} : vector<512x16xf32> to vector<512x1xf32>
    %mul3A_174 = vector.broadcast %slice3A_173 : vector<512x1xf32> to vector<512x16xf32>
    %mul3A_175 = arith.mulf %mul3A_174, %concatenate3A_19 : vector<512x16xf32>
    %add3A_176 = arith.addf %add3A_172, %mul3A_175 : vector<512x16xf32>
    %slice3A_177 = vector.extract_strided_slice %concatenate3A_9 {offsets = [0, 10], sizes = [512, 1], strides = [1, 1]} : vector<512x16xf32> to vector<512x1xf32>
    %mul3A_178 = vector.broadcast %slice3A_177 : vector<512x1xf32> to vector<512x16xf32>
    %mul3A_179 = arith.mulf %mul3A_178, %concatenate3A_9 : vector<512x16xf32>
    %slice3A_180 = vector.extract_strided_slice %concatenate3A_14 {offsets = [0, 10], sizes = [512, 1], strides = [1, 1]} : vector<512x16xf32> to vector<512x1xf32>
    %mul3A_181 = vector.broadcast %slice3A_180 : vector<512x1xf32> to vector<512x16xf32>
    %mul3A_182 = arith.mulf %mul3A_181, %concatenate3A_14 : vector<512x16xf32>
    %add3A_183 = arith.addf %mul3A_179, %mul3A_182 : vector<512x16xf32>
    %slice3A_184 = vector.extract_strided_slice %concatenate3A_19 {offsets = [0, 10], sizes = [512, 1], strides = [1, 1]} : vector<512x16xf32> to vector<512x1xf32>
    %mul3A_185 = vector.broadcast %slice3A_184 : vector<512x1xf32> to vector<512x16xf32>
    %mul3A_186 = arith.mulf %mul3A_185, %concatenate3A_19 : vector<512x16xf32>
    %add3A_187 = arith.addf %add3A_183, %mul3A_186 : vector<512x16xf32>
    %slice3A_188 = vector.extract_strided_slice %concatenate3A_9 {offsets = [0, 11], sizes = [512, 1], strides = [1, 1]} : vector<512x16xf32> to vector<512x1xf32>
    %mul3A_189 = vector.broadcast %slice3A_188 : vector<512x1xf32> to vector<512x16xf32>
    %mul3A_190 = arith.mulf %mul3A_189, %concatenate3A_9 : vector<512x16xf32>
    %slice3A_191 = vector.extract_strided_slice %concatenate3A_14 {offsets = [0, 11], sizes = [512, 1], strides = [1, 1]} : vector<512x16xf32> to vector<512x1xf32>
    %mul3A_192 = vector.broadcast %slice3A_191 : vector<512x1xf32> to vector<512x16xf32>
    %mul3A_193 = arith.mulf %mul3A_192, %concatenate3A_14 : vector<512x16xf32>
    %add3A_194 = arith.addf %mul3A_190, %mul3A_193 : vector<512x16xf32>
    %slice3A_195 = vector.extract_strided_slice %concatenate3A_19 {offsets = [0, 11], sizes = [512, 1], strides = [1, 1]} : vector<512x16xf32> to vector<512x1xf32>
    %mul3A_196 = vector.broadcast %slice3A_195 : vector<512x1xf32> to vector<512x16xf32>
    %mul3A_197 = arith.mulf %mul3A_196, %concatenate3A_19 : vector<512x16xf32>
    %add3A_198 = arith.addf %add3A_194, %mul3A_197 : vector<512x16xf32>
    %slice3A_199 = vector.extract_strided_slice %concatenate3A_9 {offsets = [0, 12], sizes = [512, 1], strides = [1, 1]} : vector<512x16xf32> to vector<512x1xf32>
    %mul3A_200 = vector.broadcast %slice3A_199 : vector<512x1xf32> to vector<512x16xf32>
    %mul3A_201 = arith.mulf %mul3A_200, %concatenate3A_9 : vector<512x16xf32>
    %slice3A_202 = vector.extract_strided_slice %concatenate3A_14 {offsets = [0, 12], sizes = [512, 1], strides = [1, 1]} : vector<512x16xf32> to vector<512x1xf32>
    %mul3A_203 = vector.broadcast %slice3A_202 : vector<512x1xf32> to vector<512x16xf32>
    %mul3A_204 = arith.mulf %mul3A_203, %concatenate3A_14 : vector<512x16xf32>
    %add3A_205 = arith.addf %mul3A_201, %mul3A_204 : vector<512x16xf32>
    %slice3A_206 = vector.extract_strided_slice %concatenate3A_19 {offsets = [0, 12], sizes = [512, 1], strides = [1, 1]} : vector<512x16xf32> to vector<512x1xf32>
    %mul3A_207 = vector.broadcast %slice3A_206 : vector<512x1xf32> to vector<512x16xf32>
    %mul3A_208 = arith.mulf %mul3A_207, %concatenate3A_19 : vector<512x16xf32>
    %add3A_209 = arith.addf %add3A_205, %mul3A_208 : vector<512x16xf32>
    %slice3A_210 = vector.extract_strided_slice %concatenate3A_9 {offsets = [0, 13], sizes = [512, 1], strides = [1, 1]} : vector<512x16xf32> to vector<512x1xf32>
    %mul3A_211 = vector.broadcast %slice3A_210 : vector<512x1xf32> to vector<512x16xf32>
    %mul3A_212 = arith.mulf %mul3A_211, %concatenate3A_9 : vector<512x16xf32>
    %slice3A_213 = vector.extract_strided_slice %concatenate3A_14 {offsets = [0, 13], sizes = [512, 1], strides = [1, 1]} : vector<512x16xf32> to vector<512x1xf32>
    %mul3A_214 = vector.broadcast %slice3A_213 : vector<512x1xf32> to vector<512x16xf32>
    %mul3A_215 = arith.mulf %mul3A_214, %concatenate3A_14 : vector<512x16xf32>
    %add3A_216 = arith.addf %mul3A_212, %mul3A_215 : vector<512x16xf32>
    %slice3A_217 = vector.extract_strided_slice %concatenate3A_19 {offsets = [0, 13], sizes = [512, 1], strides = [1, 1]} : vector<512x16xf32> to vector<512x1xf32>
    %mul3A_218 = vector.broadcast %slice3A_217 : vector<512x1xf32> to vector<512x16xf32>
    %mul3A_219 = arith.mulf %mul3A_218, %concatenate3A_19 : vector<512x16xf32>
    %add3A_220 = arith.addf %add3A_216, %mul3A_219 : vector<512x16xf32>
    %slice3A_221 = vector.extract_strided_slice %concatenate3A_9 {offsets = [0, 14], sizes = [512, 1], strides = [1, 1]} : vector<512x16xf32> to vector<512x1xf32>
    %mul3A_222 = vector.broadcast %slice3A_221 : vector<512x1xf32> to vector<512x16xf32>
    %mul3A_223 = arith.mulf %mul3A_222, %concatenate3A_9 : vector<512x16xf32>
    %slice3A_224 = vector.extract_strided_slice %concatenate3A_14 {offsets = [0, 14], sizes = [512, 1], strides = [1, 1]} : vector<512x16xf32> to vector<512x1xf32>
    %mul3A_225 = vector.broadcast %slice3A_224 : vector<512x1xf32> to vector<512x16xf32>
    %mul3A_226 = arith.mulf %mul3A_225, %concatenate3A_14 : vector<512x16xf32>
    %add3A_227 = arith.addf %mul3A_223, %mul3A_226 : vector<512x16xf32>
    %slice3A_228 = vector.extract_strided_slice %concatenate3A_19 {offsets = [0, 14], sizes = [512, 1], strides = [1, 1]} : vector<512x16xf32> to vector<512x1xf32>
    %mul3A_229 = vector.broadcast %slice3A_228 : vector<512x1xf32> to vector<512x16xf32>
    %mul3A_230 = arith.mulf %mul3A_229, %concatenate3A_19 : vector<512x16xf32>
    %add3A_231 = arith.addf %add3A_227, %mul3A_230 : vector<512x16xf32>
    %slice3A_232 = vector.extract_strided_slice %concatenate3A_9 {offsets = [0, 15], sizes = [512, 1], strides = [1, 1]} : vector<512x16xf32> to vector<512x1xf32>
    %mul3A_233 = vector.broadcast %slice3A_232 : vector<512x1xf32> to vector<512x16xf32>
    %mul3A_234 = arith.mulf %mul3A_233, %concatenate3A_9 : vector<512x16xf32>
    %slice3A_235 = vector.extract_strided_slice %concatenate3A_14 {offsets = [0, 15], sizes = [512, 1], strides = [1, 1]} : vector<512x16xf32> to vector<512x1xf32>
    %mul3A_236 = vector.broadcast %slice3A_235 : vector<512x1xf32> to vector<512x16xf32>
    %mul3A_237 = arith.mulf %mul3A_236, %concatenate3A_14 : vector<512x16xf32>
    %add3A_238 = arith.addf %mul3A_234, %mul3A_237 : vector<512x16xf32>
    %slice3A_239 = vector.extract_strided_slice %concatenate3A_19 {offsets = [0, 15], sizes = [512, 1], strides = [1, 1]} : vector<512x16xf32> to vector<512x1xf32>
    %mul3A_240 = vector.broadcast %slice3A_239 : vector<512x1xf32> to vector<512x16xf32>
    %mul3A_241 = arith.mulf %mul3A_240, %concatenate3A_19 : vector<512x16xf32>
    %add3A_242 = arith.addf %add3A_238, %mul3A_241 : vector<512x16xf32>
    %concatenate3A_243 = tpu.concatenate %add3A_77, %add3A_88, %add3A_99, %add3A_110, %add3A_121, %add3A_132, %add3A_143, %add3A_154, %add3A_165, %add3A_176, %add3A_187, %add3A_198, %add3A_209, %add3A_220, %add3A_231, %add3A_242 in 1 : vector<512x16xf32>, vector<512x16xf32>, vector<512x16xf32>, vector<512x16xf32>, vector<512x16xf32>, vector<512x16xf32>, vector<512x16xf32>, vector<512x16xf32>, vector<512x16xf32>, vector<512x16xf32>, vector<512x16xf32>, vector<512x16xf32>, vector<512x16xf32>, vector<512x16xf32>, vector<512x16xf32>, vector<512x16xf32> -> vector<512x256xf32>
    %concatenate3A_244 = tpu.concatenate %concatenate3A_67, %concatenate3A_243 in 1 : vector<512x256xf32>, vector<512x256xf32> -> vector<512x512xf32>
    %get3A_245 = arith.constant 0 : index
    %get3A_246 = arith.constant 0 : index
    %get3A_247 = vector.load %arg2[%get3A_245, %get3A_246] : memref<512x4xf32, #tpu.memory_space<vmem>>, vector<512x4xf32>
    %get3A_248 = arith.constant 0 : index
    %get3A_249 = arith.constant 0 : index
    %get3A_250 = vector.load %arg5[%get3A_248, %get3A_249] : memref<4x128xf32, #tpu.memory_space<vmem>>, vector<4x128xf32>
    %broadcast_in_dim3A = arith.constant 0.000000e+00 : f32
    %broadcast_in_dim3A_251 = vector.broadcast %broadcast_in_dim3A : f32 to vector<512xf32>
    %get3A_252 = arith.constant 0 : index
    %get3A_253 = arith.constant 0 : index
    %get3A_254 = arith.constant 0 : index
    %get3A_255 = vector.load %arg4[%get3A_252, %get3A_253, %get3A_254] : memref<4x512x128xf32, #tpu.memory_space<vmem>>, vector<1x512x128xf32>
    %get3A_256 = vector.shape_cast %get3A_255 : vector<1x512x128xf32> to vector<512x128xf32>
    %dot_general3A = arith.constant dense<0.000000e+00> : vector<512x128xf32>
    %dot_general3A_257 = tpu.matmul %concatenate3A_244, %get3A_256, %dot_general3A {dimension_numbers = #tpu.dot_dimension_numbers<[1], [0], [0], [1], [0, 0, 1, 1], [], []>, transpose_lhs_hint = false} : vector<512x512xf32>, vector<512x128xf32>, vector<512x128xf32> -> vector<512x128xf32>
    %logistic3A = arith.negf %dot_general3A_257 : vector<512x128xf32>
    %logistic3A_258 = math.exp %logistic3A : vector<512x128xf32>
    %logistic3A_259 = arith.constant 1.000000e+00 : f32
    %logistic3A_260 = vector.broadcast %logistic3A_259 : f32 to vector<512x128xf32>
    %logistic3A_261 = arith.addf %logistic3A_260, %logistic3A_258 : vector<512x128xf32>
    %logistic3A_262 = arith.divf %logistic3A_260, %logistic3A_261 : vector<512x128xf32>
    %mul3A_263 = arith.mulf %dot_general3A_257, %logistic3A_262 : vector<512x128xf32>
    %slice3A_264 = vector.extract_strided_slice %get3A_250 {offsets = [0, 0], sizes = [1, 128], strides = [1, 1]} : vector<4x128xf32> to vector<1x128xf32>
    %squeeze3A = vector.shape_cast %slice3A_264 : vector<1x128xf32> to vector<128xf32>
    %broadcast_in_dim3A_265 = vector.shape_cast %squeeze3A : vector<128xf32> to vector<1x128xf32>
    %mul3A_266 = vector.broadcast %broadcast_in_dim3A_265 : vector<1x128xf32> to vector<512x128xf32>
    %mul3A_267 = arith.mulf %mul3A_263, %mul3A_266 : vector<512x128xf32>
    %reduce_sum3A = arith.constant dense<0.000000e+00> : vector<512xf32>
    %reduce_sum3A_268 = vector.multi_reduction <add>, %mul3A_267, %reduce_sum3A [1] : vector<512x128xf32> to vector<512xf32>
    %slice3A_269 = vector.extract_strided_slice %get3A_247 {offsets = [0, 0], sizes = [512, 1], strides = [1, 1]} : vector<512x4xf32> to vector<512x1xf32>
    %squeeze3A_270 = vector.shape_cast %slice3A_269 : vector<512x1xf32> to vector<512xf32>
    %mul3A_271 = arith.mulf %reduce_sum3A_268, %squeeze3A_270 : vector<512xf32>
    %add3A_272 = arith.addf %broadcast_in_dim3A_251, %mul3A_271 : vector<512xf32>
    %get3A_273 = arith.constant 1 : index
    %get3A_274 = arith.constant 0 : index
    %get3A_275 = arith.constant 0 : index
    %get3A_276 = vector.load %arg4[%get3A_273, %get3A_274, %get3A_275] : memref<4x512x128xf32, #tpu.memory_space<vmem>>, vector<1x512x128xf32>
    %get3A_277 = vector.shape_cast %get3A_276 : vector<1x512x128xf32> to vector<512x128xf32>
    %dot_general3A_278 = arith.constant dense<0.000000e+00> : vector<512x128xf32>
    %dot_general3A_279 = tpu.matmul %concatenate3A_244, %get3A_277, %dot_general3A_278 {dimension_numbers = #tpu.dot_dimension_numbers<[1], [0], [0], [1], [0, 0, 1, 1], [], []>, transpose_lhs_hint = false} : vector<512x512xf32>, vector<512x128xf32>, vector<512x128xf32> -> vector<512x128xf32>
    %logistic3A_280 = arith.negf %dot_general3A_279 : vector<512x128xf32>
    %logistic3A_281 = math.exp %logistic3A_280 : vector<512x128xf32>
    %logistic3A_282 = arith.constant 1.000000e+00 : f32
    %logistic3A_283 = vector.broadcast %logistic3A_282 : f32 to vector<512x128xf32>
    %logistic3A_284 = arith.addf %logistic3A_283, %logistic3A_281 : vector<512x128xf32>
    %logistic3A_285 = arith.divf %logistic3A_283, %logistic3A_284 : vector<512x128xf32>
    %mul3A_286 = arith.mulf %dot_general3A_279, %logistic3A_285 : vector<512x128xf32>
    %slice3A_287 = vector.extract_strided_slice %get3A_250 {offsets = [1, 0], sizes = [1, 128], strides = [1, 1]} : vector<4x128xf32> to vector<1x128xf32>
    %squeeze3A_288 = vector.shape_cast %slice3A_287 : vector<1x128xf32> to vector<128xf32>
    %broadcast_in_dim3A_289 = vector.shape_cast %squeeze3A_288 : vector<128xf32> to vector<1x128xf32>
    %mul3A_290 = vector.broadcast %broadcast_in_dim3A_289 : vector<1x128xf32> to vector<512x128xf32>
    %mul3A_291 = arith.mulf %mul3A_286, %mul3A_290 : vector<512x128xf32>
    %reduce_sum3A_292 = arith.constant dense<0.000000e+00> : vector<512xf32>
    %reduce_sum3A_293 = vector.multi_reduction <add>, %mul3A_291, %reduce_sum3A_292 [1] : vector<512x128xf32> to vector<512xf32>
    %slice3A_294 = vector.extract_strided_slice %get3A_247 {offsets = [0, 1], sizes = [512, 1], strides = [1, 1]} : vector<512x4xf32> to vector<512x1xf32>
    %squeeze3A_295 = vector.shape_cast %slice3A_294 : vector<512x1xf32> to vector<512xf32>
    %mul3A_296 = arith.mulf %reduce_sum3A_293, %squeeze3A_295 : vector<512xf32>
    %add3A_297 = arith.addf %add3A_272, %mul3A_296 : vector<512xf32>
    %get3A_298 = arith.constant 2 : index
    %get3A_299 = arith.constant 0 : index
    %get3A_300 = arith.constant 0 : index
    %get3A_301 = vector.load %arg4[%get3A_298, %get3A_299, %get3A_300] : memref<4x512x128xf32, #tpu.memory_space<vmem>>, vector<1x512x128xf32>
    %get3A_302 = vector.shape_cast %get3A_301 : vector<1x512x128xf32> to vector<512x128xf32>
    %dot_general3A_303 = arith.constant dense<0.000000e+00> : vector<512x128xf32>
    %dot_general3A_304 = tpu.matmul %concatenate3A_244, %get3A_302, %dot_general3A_303 {dimension_numbers = #tpu.dot_dimension_numbers<[1], [0], [0], [1], [0, 0, 1, 1], [], []>, transpose_lhs_hint = false} : vector<512x512xf32>, vector<512x128xf32>, vector<512x128xf32> -> vector<512x128xf32>
    %logistic3A_305 = arith.negf %dot_general3A_304 : vector<512x128xf32>
    %logistic3A_306 = math.exp %logistic3A_305 : vector<512x128xf32>
    %logistic3A_307 = arith.constant 1.000000e+00 : f32
    %logistic3A_308 = vector.broadcast %logistic3A_307 : f32 to vector<512x128xf32>
    %logistic3A_309 = arith.addf %logistic3A_308, %logistic3A_306 : vector<512x128xf32>
    %logistic3A_310 = arith.divf %logistic3A_308, %logistic3A_309 : vector<512x128xf32>
    %mul3A_311 = arith.mulf %dot_general3A_304, %logistic3A_310 : vector<512x128xf32>
    %slice3A_312 = vector.extract_strided_slice %get3A_250 {offsets = [2, 0], sizes = [1, 128], strides = [1, 1]} : vector<4x128xf32> to vector<1x128xf32>
    %squeeze3A_313 = vector.shape_cast %slice3A_312 : vector<1x128xf32> to vector<128xf32>
    %broadcast_in_dim3A_314 = vector.shape_cast %squeeze3A_313 : vector<128xf32> to vector<1x128xf32>
    %mul3A_315 = vector.broadcast %broadcast_in_dim3A_314 : vector<1x128xf32> to vector<512x128xf32>
    %mul3A_316 = arith.mulf %mul3A_311, %mul3A_315 : vector<512x128xf32>
    %reduce_sum3A_317 = arith.constant dense<0.000000e+00> : vector<512xf32>
    %reduce_sum3A_318 = vector.multi_reduction <add>, %mul3A_316, %reduce_sum3A_317 [1] : vector<512x128xf32> to vector<512xf32>
    %slice3A_319 = vector.extract_strided_slice %get3A_247 {offsets = [0, 2], sizes = [512, 1], strides = [1, 1]} : vector<512x4xf32> to vector<512x1xf32>
    %squeeze3A_320 = vector.shape_cast %slice3A_319 : vector<512x1xf32> to vector<512xf32>
    %mul3A_321 = arith.mulf %reduce_sum3A_318, %squeeze3A_320 : vector<512xf32>
    %add3A_322 = arith.addf %add3A_297, %mul3A_321 : vector<512xf32>
    %get3A_323 = arith.constant 3 : index
    %get3A_324 = arith.constant 0 : index
    %get3A_325 = arith.constant 0 : index
    %get3A_326 = vector.load %arg4[%get3A_323, %get3A_324, %get3A_325] : memref<4x512x128xf32, #tpu.memory_space<vmem>>, vector<1x512x128xf32>
    %get3A_327 = vector.shape_cast %get3A_326 : vector<1x512x128xf32> to vector<512x128xf32>
    %dot_general3A_328 = arith.constant dense<0.000000e+00> : vector<512x128xf32>
    %dot_general3A_329 = tpu.matmul %concatenate3A_244, %get3A_327, %dot_general3A_328 {dimension_numbers = #tpu.dot_dimension_numbers<[1], [0], [0], [1], [0, 0, 1, 1], [], []>, transpose_lhs_hint = false} : vector<512x512xf32>, vector<512x128xf32>, vector<512x128xf32> -> vector<512x128xf32>
    %logistic3A_330 = arith.negf %dot_general3A_329 : vector<512x128xf32>
    %logistic3A_331 = math.exp %logistic3A_330 : vector<512x128xf32>
    %logistic3A_332 = arith.constant 1.000000e+00 : f32
    %logistic3A_333 = vector.broadcast %logistic3A_332 : f32 to vector<512x128xf32>
    %logistic3A_334 = arith.addf %logistic3A_333, %logistic3A_331 : vector<512x128xf32>
    %logistic3A_335 = arith.divf %logistic3A_333, %logistic3A_334 : vector<512x128xf32>
    %mul3A_336 = arith.mulf %dot_general3A_329, %logistic3A_335 : vector<512x128xf32>
    %slice3A_337 = vector.extract_strided_slice %get3A_250 {offsets = [3, 0], sizes = [1, 128], strides = [1, 1]} : vector<4x128xf32> to vector<1x128xf32>
    %squeeze3A_338 = vector.shape_cast %slice3A_337 : vector<1x128xf32> to vector<128xf32>
    %broadcast_in_dim3A_339 = vector.shape_cast %squeeze3A_338 : vector<128xf32> to vector<1x128xf32>
    %mul3A_340 = vector.broadcast %broadcast_in_dim3A_339 : vector<1x128xf32> to vector<512x128xf32>
    %mul3A_341 = arith.mulf %mul3A_336, %mul3A_340 : vector<512x128xf32>
    %reduce_sum3A_342 = arith.constant dense<0.000000e+00> : vector<512xf32>
    %reduce_sum3A_343 = vector.multi_reduction <add>, %mul3A_341, %reduce_sum3A_342 [1] : vector<512x128xf32> to vector<512xf32>
    %slice3A_344 = vector.extract_strided_slice %get3A_247 {offsets = [0, 3], sizes = [512, 1], strides = [1, 1]} : vector<512x4xf32> to vector<512x1xf32>
    %squeeze3A_345 = vector.shape_cast %slice3A_344 : vector<512x1xf32> to vector<512xf32>
    %mul3A_346 = arith.mulf %reduce_sum3A_343, %squeeze3A_345 : vector<512xf32>
    %add3A_347 = arith.addf %add3A_322, %mul3A_346 : vector<512xf32>
    %get3A_348 = arith.constant 0 : index
    %get3A_349 = arith.constant 0 : index
    %get3A_350 = vector.load %arg6[%get3A_348, %get3A_349] : memref<1x4xf32, #tpu.memory_space<vmem>>, vector<1x4xf32>
    %mul3A_351 = vector.broadcast %get3A_350 : vector<1x4xf32> to vector<512x4xf32>
    %mul3A_352 = arith.mulf %get3A_247, %mul3A_351 : vector<512x4xf32>
    %reduce_sum3A_353 = arith.constant dense<0.000000e+00> : vector<512xf32>
    %reduce_sum3A_354 = vector.multi_reduction <add>, %mul3A_352, %reduce_sum3A_353 [1] : vector<512x4xf32> to vector<512xf32>
    %add3A_355 = arith.addf %add3A_347, %reduce_sum3A_354 : vector<512xf32>
    %broadcast_in_dim3A_356 = vector.shape_cast %add3A_355 : vector<512xf32> to vector<512x1xf32>
    %get3A_357 = arith.constant 0 : index
    %get3A_358 = arith.constant 0 : index
    %get3A_359 = vector.load %arg3[%get3A_357, %get3A_358] : memref<512x16xf32, #tpu.memory_space<vmem>>, vector<512x16xf32>
    %mul3A_360 = vector.broadcast %broadcast_in_dim3A_356 : vector<512x1xf32> to vector<512x16xf32>
    %mul3A_361 = arith.mulf %mul3A_360, %get3A_359 : vector<512x16xf32>
    %reduce_sum3A_362 = arith.constant dense<0.000000e+00> : vector<16xf32>
    %reduce_sum3A_363 = vector.multi_reduction <add>, %mul3A_361, %reduce_sum3A_362 [0] : vector<512x16xf32> to vector<16xf32>
    %eq3A = arith.constant 0 : i32
    %eq3A_364 = arith.cmpi eq, %arg0, %eq3A : i32
    %convert_element_type3A = arith.extui %eq3A_364 : i1 to i32
    %cond3A = arith.constant 0 : i32
    %cond3A_365 = arith.cmpi ne, %convert_element_type3A, %cond3A : i32
    scf.if %cond3A_365 {
      %broadcast_in_dim3A_373 = arith.constant 0.000000e+00 : f32
      %broadcast_in_dim3A_374 = vector.broadcast %broadcast_in_dim3A_373 : f32 to vector<1x16xf32>
      %swap3A_375 = arith.constant 0 : index
      %swap3A_376 = arith.constant 0 : index
      %swap3A_377 = vector.load %arg7[%swap3A_375, %swap3A_376] : memref<1x16xf32, #tpu.memory_space<vmem>>, vector<1x16xf32>
      tpu.vector_store %arg7[%swap3A_375, %swap3A_376], %broadcast_in_dim3A_374 {strides = array<i32>} : memref<1x16xf32, #tpu.memory_space<vmem>>, vector<1x16xf32>,
    } else {
    }
    %get3A_366 = arith.constant 0 : index
    %get3A_367 = arith.constant 0 : index
    %get3A_368 = vector.load %arg7[%get3A_366, %get3A_367] : memref<1x16xf32, #tpu.memory_space<vmem>>, vector<1x16xf32>
    %broadcast_in_dim3A_369 = vector.shape_cast %reduce_sum3A_363 : vector<16xf32> to vector<1x16xf32>
    %add3A_370 = arith.addf %get3A_368, %broadcast_in_dim3A_369 : vector<1x16xf32>
    %swap3A = arith.constant 0 : index
    %swap3A_371 = arith.constant 0 : index
    %swap3A_372 = vector.load %arg7[%swap3A, %swap3A_371] : memref<1x16xf32, #tpu.memory_space<vmem>>, vector<1x16xf32>
    tpu.vector_store %arg7[%swap3A, %swap3A_371], %add3A_370 {strides = array<i32>} : memref<1x16xf32, #tpu.memory_space<vmem>>, vector<1x16xf32>,
    return
  }
  func.func @transform_0(%arg0: i32) -> (i32, i32) {
    %c0_i32 = arith.constant 0 : i32
    %c0_i32_0 = arith.constant 0 : i32
    return %arg0, %c0_i32 : i32, i32
  }
  func.func @transform_1(%arg0: i32) -> (i32, i32) {
    %c0_i32 = arith.constant 0 : i32
    %c0_i32_0 = arith.constant 0 : i32
    return %arg0, %c0_i32 : i32, i32
  }
  func.func @transform_2(%arg0: i32) -> (i32, i32) {
    %c0_i32 = arith.constant 0 : i32
    %c0_i32_0 = arith.constant 0 : i32
    return %arg0, %c0_i32 : i32, i32
  }
  func.func @transform_3(%arg0: i32) -> (i32, i32, i32) {
    %c0_i32 = arith.constant 0 : i32
    %c0_i32_0 = arith.constant 0 : i32
    %c0_i32_1 = arith.constant 0 : i32
    %c0_i32_2 = arith.constant 0 : i32
    return %c0_i32, %c0_i32_0, %c0_i32_1 : i32, i32, i32
  }
  func.func @transform_4(%arg0: i32) -> (i32, i32) {
    %c0_i32 = arith.constant 0 : i32
    %c0_i32_0 = arith.constant 0 : i32
    %c0_i32_1 = arith.constant 0 : i32
    return %c0_i32, %c0_i32_0 : i32, i32
  }
  func.func @transform_5(%arg0: i32) -> (i32, i32) {
    %c0_i32 = arith.constant 0 : i32
    %c0_i32_0 = arith.constant 0 : i32
    %c0_i32_1 = arith.constant 0 : i32
    return %c0_i32, %c0_i32_0 : i32, i32
  }
  func.func @transform_6(%arg0: i32) -> (i32, i32) {
    %c0_i32 = arith.constant 0 : i32
    %c0_i32_0 = arith.constant 0 : i32
    %c0_i32_1 = arith.constant 0 : i32
    return %c0_i32, %c0_i32_0 : i32, i32
  }
}

</mosaic_0001>

<sc_bundles>
// kernel: scatter_offload_async_start
scs
__scs_entry_jumppad:
0x0: {  	(pc) =	sbr.rel $0x88, $3  }
0x1: {  	(tag) =	ssettag $0x0;
	lr =	simm.s32 $0x1  }
0x2: {  	[smem:$0x3F9A] =	sst lr;
	_ =	strace $0xD0000000  }
0x3: {  	_ = 	snop  }
0x4: {  	_ = 	snop  }
0x5: {  	_ = 	snop  }
0x6: {  	_ = 	snop  }
0x7: {  	_ = 	snop  }
__scs_overlays_trampoline_lowered:
0x8: {  	[smem:$0x3FA9] =	sst s0  }
0x9: {  	[smem:$0x3FAA] =	sst s1  }
0xa: {  	[smem:$0x3FAB] =	sst s2  }
0xb: {  	[smem:$0x3FAC] =	sst s3  }
0xc: {  	[smem:$0x3FAD] =	sst s4  }
0xd: {  	[smem:$0x3FAE] =	sst s5  }
0xe: {  	[smem:$0x3FAF] =	sst s6  }
0xf: {  	[smem:$0x3FB0] =	sst s7  }
0x10: {  	[smem:$0x3FB1] =	sst s8  }
0x11: {  	[smem:$0x3FB2] =	sst s9;
	s0 =	simm.s32 @!p0 $0x0  }
0x12: {  	s1 =	sld [smem:$0x3F98];
	s0 =	simm.s32 @p0 $0x1  }
0x13: {  	[smem:$0x3FB3] =	sst s0;
	s0 =	simm.s32 @!p1 $0x0  }
0x14: {  	s2 =	sld [smem:$0x3F97];
	s0 =	simm.s32 @p1 $0x1  }
0x15: {  	[smem:$0x3FB4] =	sst s0;
	s0 =	simm.s32 @!p2 $0x0  }
0x16: {  	s3 =	sld [smem:$0x3FDB];
	s0 =	simm.s32 @p2 $0x1  }
0x17: {  	s4 =	simm.s32 $0x1BF5;
	[smem:$0x3FB6] =	sst s0  }
0x18: {  	s0 =	sld [smem:$0x3F99];
	_ =	swait.ge [sflag:s4], $0x0  }
0x19: {  	s7 =	sld [smem:$0x3F9A]  }
0x1a: {  	s8 =	sadd.s32 $0xFFFFE003, lr  }
0x1b: {  	s9 =	sadd.s32 $0xFFFFFEF7, lr;
	s5 =	simm.s32 $0xFFFFFFFF;
	p2 =	slt.u32 s8, $0xFFFFF086  }
0x1c: {  	p1 =	slt.u32 s9, $0xF7A;
	s5 =	simm.s32 @!p2 $0x0  }
0x1d: {  	s5 =	simm.s32 @p1 $0x1;
	p0 =	seq.s32 s7, s2  }
0x1e: {  	s7 =	smul.u32 @!p0 $0xF7A, s2;
	p2 =	seq.s32 @!p0 s5, $0x0  }
0x1f: {  	s9 =	smul.u32 $0xF7A, s1;
	s8 =	simm.s32 @!p0 $0x1BF5;
	p2 =	por !p2, p0  }
0x20: {  	[sflag:s8] =	ssyncset.s32 @!p0 $0xFFFFF086;
	s6 =	sadd.s32 @!p0 s3, s7;
	s7 =	simm.s32 @!p0 $0x108  }
0x21: {  	s3 =	sadd.s32 s3, s9;
	s6 =	sadd.s32 @!p0 $0x88, s6;
	s7 =	simm.s32 @p2 $0x1082  }
0x22: {  	[simem:s7], [sflag:s8] =	dma.local @!p0 [hbm:s6], $0xF7A  }
0x23: {  	s9 =	sor.u32 $0xD0000000, s2;
	s6 =	simm.s32 $0x108;
	_ =	swait.ge @!p0 [sflag:s8], $0x0  }
0x24: {  	s3 =	sadd.s32 $0x88, s3;
	s6 =	simm.s32 @!p1 $0x1082;
	[sflag:s4] =	ssyncset.s32 $0xFFFFF086  }
0x25: {  	[simem:s6], [sflag:s4] =	dma.local [hbm:s3], $0xF7A  }
0x26: {  	[smem:$0x3F9A] =	sst s1;
	(tag) =	ssettag s2;
	_ =	strace s9  }
0x27: {  	s1 =	sld [smem:$0x3FAA]  }
0x28: {  	s2 =	sld [smem:$0x3FAB]  }
0x29: {  	s4 =	sld [smem:$0x3FAD]  }
0x2a: {  	p0 =	seq.s32 s5, $0x0;
	s5 =	sld [smem:$0x3FAE]  }
0x2b: {  	s6 =	sld [smem:$0x3FAF]  }
0x2c: {  	s7 =	sld [smem:$0x3FB0]  }
0x2d: {  	s3 =	simm.s32 $0x108;
	s8 =	sld [smem:$0x3FB1]  }
0x2e: {  	s3 =	simm.s32 @!p0 $0x1082;
	s9 =	sld [smem:$0x3FB2]  }
0x2f: {  	lr =	sadd.s32 s0, s3;
	s0 =	sld [smem:$0x3FA9]  }
0x30: {  	s3 =	sld [smem:$0x3FAC]  }
0x31: {  	[smem:$0x3FB5] =	sst s10  }
0x32: {  	s10 =	sld [smem:$0x3FB3];
	_ =	sdelay $0x3  }
0x33: {  	p0 =	seq.s32 s10, $0x1;
	s10 =	sld [smem:$0x3FB5];
	_ =	sdelay $0x3  }
0x34: {  	[smem:$0x3FB5] =	sst s10  }
0x35: {  	s10 =	sld [smem:$0x3FB4];
	_ =	sdelay $0x3  }
0x36: {  	p1 =	seq.s32 s10, $0x1;
	s10 =	sld [smem:$0x3FB5];
	_ =	sdelay $0x3  }
0x37: {  	[smem:$0x3FB5] =	sst s10  }
0x38: {  	s10 =	sld [smem:$0x3FB6]  }
0x39: {  	_ = 	snop;
	(pc) =	sbr.ind lr, $3  }
0x3a: {  	_ = 	snop  }
0x3b: {  	_ = 	snop  }
0x3c: {  	p2 =	seq.s32 s10, $0x1;
	s10 =	sld [smem:$0x3FB5]  }
0x3d: {  	_ =	shalt  }
0x3e: {  	_ =	shalt  }
0x3f: {  	_ =	shalt  }
0x40: {  	_ =	shalt  }
0x41: {  	_ =	shalt  }
0x42: {  	_ =	shalt  }
0x43: {  	_ =	shalt  }
0x44: {  	_ =	shalt  }
0x45: {  	_ =	shalt  }
0x46: {  	_ =	shalt  }
0x47: {  	_ =	shalt  }
0x48: {  	_ =	shalt  }
0x49: {  	_ =	shalt  }
0x4a: {  	_ =	shalt  }
0x4b: {  	_ =	shalt  }
0x4c: {  	_ =	shalt  }
0x4d: {  	_ =	shalt  }
0x4e: {  	_ =	shalt  }
0x4f: {  	_ =	shalt  }
0x50: {  	_ =	shalt  }
0x51: {  	_ =	shalt  }
0x52: {  	_ =	shalt  }
0x53: {  	_ =	shalt  }
0x54: {  	_ =	shalt  }
0x55: {  	_ =	shalt  }
0x56: {  	_ =	shalt  }
0x57: {  	_ =	shalt  }
0x58: {  	_ =	shalt  }
0x59: {  	_ =	shalt  }
0x5a: {  	_ =	shalt  }
0x5b: {  	_ =	shalt  }
0x5c: {  	_ =	shalt  }
0x5d: {  	_ =	shalt  }
0x5e: {  	_ =	shalt  }
0x5f: {  	_ =	shalt  }
0x60: {  	_ =	shalt  }
0x61: {  	_ =	shalt  }
0x62: {  	_ =	shalt  }
0x63: {  	_ =	shalt  }
0x64: {  	_ =	shalt  }
0x65: {  	_ =	shalt  }
0x66: {  	_ =	shalt  }
0x67: {  	_ =	shalt  }
0x68: {  	_ =	shalt  }
0x69: {  	_ =	shalt  }
0x6a: {  	_ =	shalt  }
0x6b: {  	_ =	shalt  }
0x6c: {  	_ =	shalt  }
0x6d: {  	_ =	shalt  }
0x6e: {  	_ =	shalt  }
0x6f: {  	_ =	shalt  }
0x70: {  	_ =	shalt  }
0x71: {  	_ =	shalt  }
0x72: {  	_ =	shalt  }
0x73: {  	_ =	shalt  }
0x74: {  	_ =	shalt  }
0x75: {  	_ =	shalt  }
0x76: {  	_ =	shalt  }
0x77: {  	_ =	shalt  }
0x78: {  	_ =	shalt  }
0x79: {  	_ =	shalt  }
0x7a: {  	_ =	shalt  }
0x7b: {  	_ =	shalt  }
0x7c: {  	_ =	shalt  }
0x7d: {  	_ =	shalt  }
0x7e: {  	_ =	shalt  }
0x7f: {  	_ =	shalt  }
0x80: {  	_ =	shalt  }
0x81: {  	_ =	shalt  }
0x82: {  	_ =	shalt  }
0x83: {  	_ =	shalt  }
0x84: {  	_ =	shalt  }
0x85: {  	_ =	shalt  }
0x86: {  	_ =	shalt  }
0x87: {  	_ =	shalt  }
.Lfunc_end0:
.L_simem_size_0:
called_computation_lowered:
.L_overlay_start_0:
0x88: {  	s2 =	sld [smem:$0x3FD9]  }
0x89: {  	s3 =	sld [smem:$0x3FFE];
	_ =	sdelay $0x1  }
0x8a: {  	s1 =	srdreg.scid  }
0x8b: {  	s0 =	sand.u32 $0x1, s1  }
0x8c: {  	s15 =	sshll.u32 s0, $0xA;
	s2 =	sadd.s32 s3, s2  }
0x8d: {  	s2 =	sadd.s32 s2, s15  }
0x8e: {  	[smem:$0x3FC1] =	sst s2  }
0x8f: {  	_ = 	snop  }
0x90: {  	(tm) =	ssettm $0x1  }
0x91: {  	s16 =	sld [smem:$0x3FFB];
	_ =	sdelay $0x3  }
0x92: {  	_ =	strace s16  }
0x93: {  	s2 =	sld [smem:$0x3FFC];
	_ =	sdelay $0x3  }
0x94: {  	_ =	strace s2  }
0x95: {  	s2 =	sld [smem:$0x3FFD];
	_ =	sdelay $0x3  }
0x96: {  	_ =	strace s2  }
0x97: {  	_ =	strace $0x8FFFFFFF  }
0x98: {  	s17 =	sld [smem:$0x3FDB];
	_ =	sdelay $0x1  }
0x99: {  	s18 =	simm.s32 $_scs_section_size  }
0x9a: {  	s4 =	simm.s32 $_size__tile_overlayer_lowered;
	s5 =	simm.s32 $_tile_overlayer_lowered  }
0x9b: {  	s21 =	simm.s32 $0x1BFF;
	s20 =	sshll.u32 s5, $0x1;
	s2 =	sadd.s32 s18, s17  }
0x9c: {  	s6 =	simm.s32 $0x0;
	s19 =	sshll.u32 s4, $0x1;
	s4 =	sadd.s32 s20, s2  }
0x9d: {  	[timem:s6], [sflag:s21] =	dma.local [hbm:s4], s19  }
0x9e: {  	_ =	swait.ge [sflag:s21], s19  }
0x9f: {  	s3 =	ssub.s32 $0x0, s19;
	[sflag:s21] =	ssyncset.done $0x0  }
0xa0: {  	[sflag:s21] =	ssyncadd.s32 s3;
	_ =	sdelay $0x1  }
0xa1: {  	s22 =	simm.s32 $0x1B8B  }
0xa2: {  	_ =	swait.ge [sflag:s22], $0x1  }
0xa3: {  	[sflag:s22] =	ssyncset.done $0x0  }
0xa4: {  	s23 =	sld [smem:$0x3FFE];
	[sflag:s22] =	ssyncadd.s32 $0xFFFFFFFF  }
0xa5: {  	s25 =	simm.s32 $0x1B8E;
	s24 =	sld [smem:$0x0]  }
0xa6: {  	s26 =	simm.s32 $execute0_lowered;
	[smem:$0x3FD2] =	sst s25  }
0xa7: {  	s5 =	sshll.u32 s26, $0x1;
	_ =	strace $0x80000049;
	[dreg:$0x1] =	wrdreg $0xFFFFFFFF  }
0xa8: {  	s28 =	simm.s32 $_size_execute0_lowered;
	s2 =	sadd.s32 s2, s5;
	[dreg:$0x0] =	wrdreg $0x0  }
0xa9: {  	s5 =	sshll.u32 s28, $0x1;
	[dreg:$0x2] =	wrdreg s2  }
0xaa: {  	[dreg:$0x3] =	wrdreg s5  }
0xab: {  	[dreg:$0x4] =	wrdreg $0xC0  }
0xac: {  	_ =	task [dreg:s6], $0x5FFFF  }
0xad: {  	[dreg:$0x1] =	wrdreg $0xFFFFFFFF  }
0xae: {  	[dreg:$0x0] =	wrdreg $0x60  }
0xaf: {  	[dreg:$0x2] =	wrdreg s23  }
0xb0: {  	[dreg:$0x3] =	wrdreg s1  }
0xb1: {  	[dreg:$0x4] =	wrdreg s24  }
0xb2: {  	[dreg:$0x5] =	wrdreg $0x9  }
0xb3: {  	_ =	task.clear_ibuf [dreg:s6], $0x6FFFF;
	_ =	strace $0x90000049  }
0xb4: {  	s29 =	simm.s32 $0x9;
	_ =	strace $0x8000004B  }
0xb5: {  	_ =	swait.ge [sflag:s29], $0x1  }
0xb6: {  	[sflag:s29] =	ssyncadd.s32 $0xFFFFFFFF  }
0xb7: {  	_ =	strace $0x9000004B  }
0xb8: {  	_ =	sfence  }
0xb9: {  	s30 =	sld [smem:$0x0];
	_ =	sdelay $0x2  }
0xba: {  	s31 =	sshll.u32 s1, $0xD;
	s1 =	sshrl.u32 s1, $0x2  }
0xbb: {  	s3 =	sand.u32 $0x4000, s31;
	s1 =	sadd.s32 s1, s30  }
0xbc: {  	s0 =	sor.u32 s3, s0;
	s1 =	sshll.u32 s1, $0x11  }
0xbd: {  	s0 =	sor.u32 s1, s0  }
0xbe: {  	s0 =	sadd.s32 $0x8F2B, s0  }
0xbf: {  	[sflag:s0] =	ssyncadd.remote.s32 $0x1  }
0xc0: {  	_ =	sfence.sel $0xFFFF  }
0xc1: {  	[dreg:$0x0] =	wrdreg $0xFFFFFFFF;
	(pc) =	sbr.abs _section_cstart, $3  }
0xc2: {  	[dreg:$0x1] =	wrdreg $0xFFFFFFFF  }
0xc3: {  	_ =	task.clear_ibuf [dreg:s6], $0x2FFFF;
	_ =	strace $0x9FFFFFFF  }
0xc4: {  	(tm) =	ssettm $0x7FFFFFFF  }
0xc5: {  	_ =	shalt  }
tec
execute0_lowered:
.L_overlay_start_1:
0x0: {  	(tag) =	ssettag $0x1  }
0x1: {  	s12 =	rddreg [dreg:$0x0]  }
0x2: {  	s2 =	rddreg [dreg:$0x1];
	_ =	strace $0x8000004A;
	s13 =	simm.s32 $0x1  }
0x3: {  	v0 =	vimm.s32 $0x0;
	[sflag:s13] =	ssyncpa.u1 $0x0  }
0x4: {  	[tilespmem:$0x28] =	vst v0  }
0x5: {  	[tilespmem:$0x38] =	vst v0  }
0x6: {  	[tilespmem:$0x48] =	vst v0  }
0x7: {  	[tilespmem:$0x58] =	vst v0  }
0x8: {  	[tilespmem:$0x68] =	vst v0  }
0x9: {  	[tilespmem:$0x78] =	vst v0  }
0xa: {  	[tilespmem:$0x88] =	vst v0  }
0xb: {  	[tilespmem:$0x98] =	vst v0  }
0xc: {  	[tilespmem:$0xA8] =	vst v0  }
0xd: {  	[tilespmem:$0xB8] =	vst v0  }
0xe: {  	[tilespmem:$0xC8] =	vst v0  }
0xf: {  	[tilespmem:$0xD8] =	vst v0  }
0x10: {  	[tilespmem:$0xE8] =	vst v0  }
0x11: {  	[tilespmem:$0xF8] =	vst v0  }
0x12: {  	[tilespmem:$0x108] =	vst v0  }
0x13: {  	[tilespmem:$0x118] =	vst v0  }
0x14: {  	[tilespmem:$0x128] =	vst v0  }
0x15: {  	[tilespmem:$0x138] =	vst v0  }
0x16: {  	[tilespmem:$0x148] =	vst v0  }
0x17: {  	[tilespmem:$0x158] =	vst v0  }
0x18: {  	[tilespmem:$0x168] =	vst v0  }
0x19: {  	[tilespmem:$0x178] =	vst v0  }
0x1a: {  	[tilespmem:$0x188] =	vst v0  }
0x1b: {  	[tilespmem:$0x198] =	vst v0  }
0x1c: {  	[tilespmem:$0x1A8] =	vst v0  }
0x1d: {  	[tilespmem:$0x1B8] =	vst v0  }
0x1e: {  	[tilespmem:$0x1C8] =	vst v0  }
0x1f: {  	[tilespmem:$0x1D8] =	vst v0  }
0x20: {  	[tilespmem:$0x1E8] =	vst v0  }
0x21: {  	[tilespmem:$0x1F8] =	vst v0  }
0x22: {  	[tilespmem:$0x208] =	vst v0  }
0x23: {  	[tilespmem:$0x218] =	vst v0  }
0x24: {  	[tilespmem:$0x228] =	vst v0  }
0x25: {  	[tilespmem:$0x238] =	vst v0  }
0x26: {  	[tilespmem:$0x248] =	vst v0  }
0x27: {  	[tilespmem:$0x258] =	vst v0  }
0x28: {  	[tilespmem:$0x268] =	vst v0  }
0x29: {  	[tilespmem:$0x278] =	vst v0  }
0x2a: {  	[tilespmem:$0x288] =	vst v0  }
0x2b: {  	[tilespmem:$0x298] =	vst v0  }
0x2c: {  	[tilespmem:$0x2A8] =	vst v0  }
0x2d: {  	[tilespmem:$0x2B8] =	vst v0  }
0x2e: {  	[tilespmem:$0x2C8] =	vst v0  }
0x2f: {  	[tilespmem:$0x2D8] =	vst v0  }
0x30: {  	[tilespmem:$0x2E8] =	vst v0  }
0x31: {  	[tilespmem:$0x2F8] =	vst v0  }
0x32: {  	[tilespmem:$0x308] =	vst v0  }
0x33: {  	[tilespmem:$0x318] =	vst v0  }
0x34: {  	[tilespmem:$0x328] =	vst v0  }
0x35: {  	[tilespmem:$0x338] =	vst v0  }
0x36: {  	[tilespmem:$0x348] =	vst v0  }
0x37: {  	[tilespmem:$0x358] =	vst v0  }
0x38: {  	[tilespmem:$0x368] =	vst v0  }
0x39: {  	[tilespmem:$0x378] =	vst v0  }
0x3a: {  	[tilespmem:$0x388] =	vst v0  }
0x3b: {  	[tilespmem:$0x398] =	vst v0  }
0x3c: {  	[tilespmem:$0x3A8] =	vst v0  }
0x3d: {  	[tilespmem:$0x3B8] =	vst v0  }
0x3e: {  	[tilespmem:$0x3C8] =	vst v0  }
0x3f: {  	[tilespmem:$0x3D8] =	vst v0  }
0x40: {  	[tilespmem:$0x3E8] =	vst v0  }
0x41: {  	[tilespmem:$0x3F8] =	vst v0  }
0x42: {  	[tilespmem:$0x408] =	vst v0  }
0x43: {  	[tilespmem:$0x418] =	vst v0  }
0x44: {  	[tilespmem:$0x428] =	vst v0  }
0x45: {  	[tilespmem:$0x438] =	vst v0  }
0x46: {  	[tilespmem:$0x448] =	vst v0  }
0x47: {  	[tilespmem:$0x458] =	vst v0  }
0x48: {  	[tilespmem:$0x468] =	vst v0  }
0x49: {  	[tilespmem:$0x478] =	vst v0  }
0x4a: {  	[tilespmem:$0x488] =	vst v0  }
0x4b: {  	[tilespmem:$0x498] =	vst v0  }
0x4c: {  	[tilespmem:$0x4A8] =	vst v0  }
0x4d: {  	[tilespmem:$0x4B8] =	vst v0  }
0x4e: {  	[tilespmem:$0x4C8] =	vst v0  }
0x4f: {  	[tilespmem:$0x4D8] =	vst v0  }
0x50: {  	[tilespmem:$0x4E8] =	vst v0  }
0x51: {  	[tilespmem:$0x4F8] =	vst v0  }
0x52: {  	[tilespmem:$0x508] =	vst v0  }
0x53: {  	[tilespmem:$0x518] =	vst v0  }
0x54: {  	[tilespmem:$0x528] =	vst v0  }
0x55: {  	[tilespmem:$0x538] =	vst v0  }
0x56: {  	[tilespmem:$0x548] =	vst v0  }
0x57: {  	[tilespmem:$0x558] =	vst v0  }
0x58: {  	[tilespmem:$0x568] =	vst v0  }
0x59: {  	[tilespmem:$0x578] =	vst v0  }
0x5a: {  	[tilespmem:$0x588] =	vst v0  }
0x5b: {  	[tilespmem:$0x598] =	vst v0  }
0x5c: {  	[tilespmem:$0x5A8] =	vst v0  }
0x5d: {  	[tilespmem:$0x5B8] =	vst v0  }
0x5e: {  	[tilespmem:$0x5C8] =	vst v0  }
0x5f: {  	[tilespmem:$0x5D8] =	vst v0  }
0x60: {  	[tilespmem:$0x5E8] =	vst v0  }
0x61: {  	[tilespmem:$0x5F8] =	vst v0  }
0x62: {  	[tilespmem:$0x608] =	vst v0  }
0x63: {  	[tilespmem:$0x618] =	vst v0  }
0x64: {  	[tilespmem:$0x628] =	vst v0  }
0x65: {  	[tilespmem:$0x638] =	vst v0  }
0x66: {  	[tilespmem:$0x648] =	vst v0  }
0x67: {  	[tilespmem:$0x658] =	vst v0  }
0x68: {  	[tilespmem:$0x668] =	vst v0  }
0x69: {  	[tilespmem:$0x678] =	vst v0  }
0x6a: {  	[tilespmem:$0x688] =	vst v0  }
0x6b: {  	[tilespmem:$0x698] =	vst v0  }
0x6c: {  	[tilespmem:$0x6A8] =	vst v0  }
0x6d: {  	[tilespmem:$0x6B8] =	vst v0  }
0x6e: {  	[tilespmem:$0x6C8] =	vst v0  }
0x6f: {  	[tilespmem:$0x6D8] =	vst v0  }
0x70: {  	[tilespmem:$0x6E8] =	vst v0  }
0x71: {  	[tilespmem:$0x6F8] =	vst v0  }
0x72: {  	[tilespmem:$0x708] =	vst v0  }
0x73: {  	[tilespmem:$0x718] =	vst v0  }
0x74: {  	[tilespmem:$0x728] =	vst v0  }
0x75: {  	[tilespmem:$0x738] =	vst v0  }
0x76: {  	[tilespmem:$0x748] =	vst v0  }
0x77: {  	[tilespmem:$0x758] =	vst v0  }
0x78: {  	[tilespmem:$0x768] =	vst v0  }
0x79: {  	[tilespmem:$0x778] =	vst v0  }
0x7a: {  	[tilespmem:$0x788] =	vst v0  }
0x7b: {  	[tilespmem:$0x798] =	vst v0  }
0x7c: {  	[tilespmem:$0x7A8] =	vst v0  }
0x7d: {  	[tilespmem:$0x7B8] =	vst v0  }
0x7e: {  	[tilespmem:$0x7C8] =	vst v0  }
0x7f: {  	[tilespmem:$0x7D8] =	vst v0  }
0x80: {  	[tilespmem:$0x7E8] =	vst v0  }
0x81: {  	[tilespmem:$0x7F8] =	vst v0  }
0x82: {  	[tilespmem:$0x808] =	vst v0  }
0x83: {  	[tilespmem:$0x818] =	vst v0  }
0x84: {  	[tilespmem:$0x828] =	vst v0  }
0x85: {  	[tilespmem:$0x838] =	vst v0  }
0x86: {  	[tilespmem:$0x848] =	vst v0  }
0x87: {  	[tilespmem:$0x858] =	vst v0  }
0x88: {  	[tilespmem:$0x868] =	vst v0  }
0x89: {  	[tilespmem:$0x878] =	vst v0  }
0x8a: {  	[tilespmem:$0x888] =	vst v0  }
0x8b: {  	[tilespmem:$0x898] =	vst v0  }
0x8c: {  	[tilespmem:$0x8A8] =	vst v0  }
0x8d: {  	[tilespmem:$0x8B8] =	vst v0  }
0x8e: {  	[tilespmem:$0x8C8] =	vst v0  }
0x8f: {  	[tilespmem:$0x8D8] =	vst v0  }
0x90: {  	[tilespmem:$0x8E8] =	vst v0  }
0x91: {  	[tilespmem:$0x8F8] =	vst v0  }
0x92: {  	[tilespmem:$0x908] =	vst v0  }
0x93: {  	[tilespmem:$0x918] =	vst v0  }
0x94: {  	[tilespmem:$0x928] =	vst v0  }
0x95: {  	[tilespmem:$0x938] =	vst v0  }
0x96: {  	[tilespmem:$0x948] =	vst v0  }
0x97: {  	[tilespmem:$0x958] =	vst v0  }
0x98: {  	[tilespmem:$0x968] =	vst v0  }
0x99: {  	[tilespmem:$0x978] =	vst v0  }
0x9a: {  	[tilespmem:$0x988] =	vst v0  }
0x9b: {  	[tilespmem:$0x998] =	vst v0  }
0x9c: {  	[tilespmem:$0x9A8] =	vst v0  }
0x9d: {  	[tilespmem:$0x9B8] =	vst v0  }
0x9e: {  	[tilespmem:$0x9C8] =	vst v0  }
0x9f: {  	[tilespmem:$0x9D8] =	vst v0  }
0xa0: {  	[tilespmem:$0x9E8] =	vst v0  }
0xa1: {  	[tilespmem:$0x9F8] =	vst v0  }
0xa2: {  	[tilespmem:$0xA08] =	vst v0  }
0xa3: {  	[tilespmem:$0xA18] =	vst v0  }
0xa4: {  	[tilespmem:$0xA28] =	vst v0  }
0xa5: {  	[tilespmem:$0xA38] =	vst v0  }
0xa6: {  	[tilespmem:$0xA48] =	vst v0  }
0xa7: {  	[tilespmem:$0xA58] =	vst v0  }
0xa8: {  	[tilespmem:$0xA68] =	vst v0  }
0xa9: {  	[tilespmem:$0xA78] =	vst v0  }
0xaa: {  	[tilespmem:$0xA88] =	vst v0  }
0xab: {  	[tilespmem:$0xA98] =	vst v0  }
0xac: {  	[tilespmem:$0xAA8] =	vst v0  }
0xad: {  	[tilespmem:$0xAB8] =	vst v0  }
0xae: {  	[tilespmem:$0xAC8] =	vst v0  }
0xaf: {  	[tilespmem:$0xAD8] =	vst v0  }
0xb0: {  	[tilespmem:$0xAE8] =	vst v0  }
0xb1: {  	[tilespmem:$0xAF8] =	vst v0  }
0xb2: {  	[tilespmem:$0xB08] =	vst v0  }
0xb3: {  	[tilespmem:$0xB18] =	vst v0  }
0xb4: {  	[tilespmem:$0xB28] =	vst v0  }
0xb5: {  	[tilespmem:$0xB38] =	vst v0  }
0xb6: {  	[tilespmem:$0xB48] =	vst v0  }
0xb7: {  	[tilespmem:$0xB58] =	vst v0  }
0xb8: {  	[tilespmem:$0xB68] =	vst v0  }
0xb9: {  	[tilespmem:$0xB78] =	vst v0  }
0xba: {  	[tilespmem:$0xB88] =	vst v0  }
0xbb: {  	[tilespmem:$0xB98] =	vst v0  }
0xbc: {  	[tilespmem:$0xBA8] =	vst v0  }
0xbd: {  	[tilespmem:$0xBB8] =	vst v0  }
0xbe: {  	[tilespmem:$0xBC8] =	vst v0  }
0xbf: {  	[tilespmem:$0xBD8] =	vst v0  }
0xc0: {  	[tilespmem:$0xBE8] =	vst v0  }
0xc1: {  	[tilespmem:$0xBF8] =	vst v0  }
0xc2: {  	[tilespmem:$0xC08] =	vst v0  }
0xc3: {  	[tilespmem:$0xC18] =	vst v0  }
0xc4: {  	[tilespmem:$0xC28] =	vst v0  }
0xc5: {  	[tilespmem:$0xC38] =	vst v0  }
0xc6: {  	[tilespmem:$0xC48] =	vst v0  }
0xc7: {  	[tilespmem:$0xC58] =	vst v0  }
0xc8: {  	[tilespmem:$0xC68] =	vst v0  }
0xc9: {  	[tilespmem:$0xC78] =	vst v0  }
0xca: {  	[tilespmem:$0xC88] =	vst v0  }
0xcb: {  	[tilespmem:$0xC98] =	vst v0  }
0xcc: {  	[tilespmem:$0xCA8] =	vst v0  }
0xcd: {  	[tilespmem:$0xCB8] =	vst v0  }
0xce: {  	[tilespmem:$0xCC8] =	vst v0  }
0xcf: {  	[tilespmem:$0xCD8] =	vst v0  }
0xd0: {  	[tilespmem:$0xCE8] =	vst v0  }
0xd1: {  	[tilespmem:$0xCF8] =	vst v0  }
0xd2: {  	[tilespmem:$0xD08] =	vst v0  }
0xd3: {  	[tilespmem:$0xD18] =	vst v0  }
0xd4: {  	[tilespmem:$0xD28] =	vst v0  }
0xd5: {  	[tilespmem:$0xD38] =	vst v0  }
0xd6: {  	[tilespmem:$0xD48] =	vst v0  }
0xd7: {  	[tilespmem:$0xD58] =	vst v0  }
0xd8: {  	[tilespmem:$0xD68] =	vst v0  }
0xd9: {  	[tilespmem:$0xD78] =	vst v0  }
0xda: {  	[tilespmem:$0xD88] =	vst v0  }
0xdb: {  	[tilespmem:$0xD98] =	vst v0  }
0xdc: {  	[tilespmem:$0xDA8] =	vst v0  }
0xdd: {  	[tilespmem:$0xDB8] =	vst v0  }
0xde: {  	[tilespmem:$0xDC8] =	vst v0  }
0xdf: {  	[tilespmem:$0xDD8] =	vst v0  }
0xe0: {  	[tilespmem:$0xDE8] =	vst v0  }
0xe1: {  	[tilespmem:$0xDF8] =	vst v0  }
0xe2: {  	[tilespmem:$0xE08] =	vst v0  }
0xe3: {  	[tilespmem:$0xE18] =	vst v0  }
0xe4: {  	[tilespmem:$0xE28] =	vst v0  }
0xe5: {  	[tilespmem:$0xE38] =	vst v0  }
0xe6: {  	[tilespmem:$0xE48] =	vst v0  }
0xe7: {  	[tilespmem:$0xE58] =	vst v0  }
0xe8: {  	[tilespmem:$0xE68] =	vst v0  }
0xe9: {  	[tilespmem:$0xE78] =	vst v0  }
0xea: {  	[tilespmem:$0xE88] =	vst v0  }
0xeb: {  	[tilespmem:$0xE98] =	vst v0  }
0xec: {  	[tilespmem:$0xEA8] =	vst v0  }
0xed: {  	[tilespmem:$0xEB8] =	vst v0  }
0xee: {  	[tilespmem:$0xEC8] =	vst v0  }
0xef: {  	[tilespmem:$0xED8] =	vst v0  }
0xf0: {  	[tilespmem:$0xEE8] =	vst v0  }
0xf1: {  	[tilespmem:$0xEF8] =	vst v0  }
0xf2: {  	[tilespmem:$0xF08] =	vst v0  }
0xf3: {  	[tilespmem:$0xF18] =	vst v0  }
0xf4: {  	[tilespmem:$0xF28] =	vst v0  }
0xf5: {  	[tilespmem:$0xF38] =	vst v0  }
0xf6: {  	[tilespmem:$0xF48] =	vst v0  }
0xf7: {  	[tilespmem:$0xF58] =	vst v0  }
0xf8: {  	[tilespmem:$0xF68] =	vst v0  }
0xf9: {  	[tilespmem:$0xF78] =	vst v0  }
0xfa: {  	[tilespmem:$0xF88] =	vst v0  }
0xfb: {  	[tilespmem:$0xF98] =	vst v0  }
0xfc: {  	[tilespmem:$0xFA8] =	vst v0  }
0xfd: {  	[tilespmem:$0xFB8] =	vst v0  }
0xfe: {  	[tilespmem:$0xFC8] =	vst v0  }
0xff: {  	[tilespmem:$0xFD8] =	vst v0  }
0x100: {  	[tilespmem:$0xFE8] =	vst v0  }
0x101: {  	[tilespmem:$0xFF8] =	vst v0  }
0x102: {  	[tilespmem:$0x1018] =	vst v0  }
0x103: {  	[tilespmem:$0x10C8] =	vst v0  }
0x104: {  	[tilespmem:$0x1B28] =	vst v0  }
0x105: {  	[tilespmem:$0x1B18] =	vst v0  }
0x106: {  	[tilespmem:$0x1B08] =	vst v0  }
0x107: {  	[tilespmem:$0x1AF8] =	vst v0  }
0x108: {  	[tilespmem:$0x1AE8] =	vst v0  }
0x109: {  	[tilespmem:$0x1AD8] =	vst v0  }
0x10a: {  	[tilespmem:$0x1AC8] =	vst v0  }
0x10b: {  	[tilespmem:$0x1AB8] =	vst v0  }
0x10c: {  	[tilespmem:$0x1AA8] =	vst v0  }
0x10d: {  	[tilespmem:$0x1A98] =	vst v0  }
0x10e: {  	[tilespmem:$0x1A88] =	vst v0  }
0x10f: {  	[tilespmem:$0x1A78] =	vst v0  }
0x110: {  	[tilespmem:$0x1A68] =	vst v0  }
0x111: {  	[tilespmem:$0x1A58] =	vst v0  }
0x112: {  	[tilespmem:$0x1A48] =	vst v0  }
0x113: {  	[tilespmem:$0x1A38] =	vst v0  }
0x114: {  	[tilespmem:$0x1A28] =	vst v0  }
0x115: {  	[tilespmem:$0x1A18] =	vst v0  }
0x116: {  	[tilespmem:$0x1A08] =	vst v0  }
0x117: {  	[tilespmem:$0x19F8] =	vst v0  }
0x118: {  	[tilespmem:$0x19E8] =	vst v0  }
0x119: {  	[tilespmem:$0x19D8] =	vst v0  }
0x11a: {  	[tilespmem:$0x19C8] =	vst v0  }
0x11b: {  	[tilespmem:$0x19B8] =	vst v0  }
0x11c: {  	[tilespmem:$0x19A8] =	vst v0  }
0x11d: {  	[tilespmem:$0x1998] =	vst v0  }
0x11e: {  	[tilespmem:$0x1988] =	vst v0  }
0x11f: {  	[tilespmem:$0x1978] =	vst v0  }
0x120: {  	[tilespmem:$0x1968] =	vst v0  }
0x121: {  	[tilespmem:$0x1958] =	vst v0  }
0x122: {  	[tilespmem:$0x1948] =	vst v0  }
0x123: {  	[tilespmem:$0x1938] =	vst v0  }
0x124: {  	[tilespmem:$0x1928] =	vst v0  }
0x125: {  	[tilespmem:$0x1918] =	vst v0  }
0x126: {  	[tilespmem:$0x1908] =	vst v0  }
0x127: {  	[tilespmem:$0x18F8] =	vst v0  }
0x128: {  	[tilespmem:$0x18E8] =	vst v0  }
0x129: {  	[tilespmem:$0x18D8] =	vst v0  }
0x12a: {  	[tilespmem:$0x18C8] =	vst v0  }
0x12b: {  	[tilespmem:$0x18B8] =	vst v0  }
0x12c: {  	[tilespmem:$0x18A8] =	vst v0  }
0x12d: {  	[tilespmem:$0x1898] =	vst v0  }
0x12e: {  	[tilespmem:$0x1888] =	vst v0  }
0x12f: {  	[tilespmem:$0x1878] =	vst v0  }
0x130: {  	[tilespmem:$0x1868] =	vst v0  }
0x131: {  	[tilespmem:$0x1858] =	vst v0  }
0x132: {  	[tilespmem:$0x1848] =	vst v0  }
0x133: {  	[tilespmem:$0x1838] =	vst v0  }
0x134: {  	[tilespmem:$0x1828] =	vst v0  }
0x135: {  	[tilespmem:$0x1818] =	vst v0  }
0x136: {  	[tilespmem:$0x1808] =	vst v0  }
0x137: {  	[tilespmem:$0x17F8] =	vst v0  }
0x138: {  	[tilespmem:$0x17E8] =	vst v0  }
0x139: {  	[tilespmem:$0x17D8] =	vst v0  }
0x13a: {  	[tilespmem:$0x17C8] =	vst v0  }
0x13b: {  	[tilespmem:$0x17B8] =	vst v0  }
0x13c: {  	[tilespmem:$0x17A8] =	vst v0  }
0x13d: {  	[tilespmem:$0x1798] =	vst v0  }
0x13e: {  	[tilespmem:$0x1788] =	vst v0  }
0x13f: {  	[tilespmem:$0x1778] =	vst v0  }
0x140: {  	[tilespmem:$0x1768] =	vst v0  }
0x141: {  	[tilespmem:$0x1758] =	vst v0  }
0x142: {  	[tilespmem:$0x1748] =	vst v0  }
0x143: {  	[tilespmem:$0x1738] =	vst v0  }
0x144: {  	[tilespmem:$0x1728] =	vst v0  }
0x145: {  	[tilespmem:$0x1718] =	vst v0  }
0x146: {  	[tilespmem:$0x1708] =	vst v0  }
0x147: {  	[tilespmem:$0x16F8] =	vst v0  }
0x148: {  	[tilespmem:$0x16E8] =	vst v0  }
0x149: {  	[tilespmem:$0x16D8] =	vst v0  }
0x14a: {  	[tilespmem:$0x16C8] =	vst v0  }
0x14b: {  	[tilespmem:$0x16B8] =	vst v0  }
0x14c: {  	[tilespmem:$0x16A8] =	vst v0  }
0x14d: {  	[tilespmem:$0x1698] =	vst v0  }
0x14e: {  	[tilespmem:$0x1688] =	vst v0  }
0x14f: {  	[tilespmem:$0x1678] =	vst v0  }
0x150: {  	[tilespmem:$0x1668] =	vst v0  }
0x151: {  	[tilespmem:$0x1658] =	vst v0  }
0x152: {  	[tilespmem:$0x1648] =	vst v0  }
0x153: {  	[tilespmem:$0x1638] =	vst v0  }
0x154: {  	[tilespmem:$0x1628] =	vst v0  }
0x155: {  	[tilespmem:$0x1618] =	vst v0  }
0x156: {  	[tilespmem:$0x1608] =	vst v0  }
0x157: {  	[tilespmem:$0x15F8] =	vst v0  }
0x158: {  	[tilespmem:$0x15E8] =	vst v0  }
0x159: {  	[tilespmem:$0x15D8] =	vst v0  }
0x15a: {  	[tilespmem:$0x15C8] =	vst v0  }
0x15b: {  	[tilespmem:$0x15B8] =	vst v0  }
0x15c: {  	[tilespmem:$0x15A8] =	vst v0  }
0x15d: {  	[tilespmem:$0x1598] =	vst v0  }
0x15e: {  	[tilespmem:$0x1588] =	vst v0  }
0x15f: {  	[tilespmem:$0x1578] =	vst v0  }
0x160: {  	[tilespmem:$0x1568] =	vst v0  }
0x161: {  	[tilespmem:$0x1558] =	vst v0  }
0x162: {  	[tilespmem:$0x1548] =	vst v0  }
0x163: {  	[tilespmem:$0x1538] =	vst v0  }
0x164: {  	[tilespmem:$0x1528] =	vst v0  }
0x165: {  	[tilespmem:$0x1518] =	vst v0  }
0x166: {  	[tilespmem:$0x1508] =	vst v0  }
0x167: {  	[tilespmem:$0x14F8] =	vst v0  }
0x168: {  	[tilespmem:$0x14E8] =	vst v0  }
0x169: {  	[tilespmem:$0x14D8] =	vst v0  }
0x16a: {  	[tilespmem:$0x14C8] =	vst v0  }
0x16b: {  	[tilespmem:$0x14B8] =	vst v0  }
0x16c: {  	[tilespmem:$0x14A8] =	vst v0  }
0x16d: {  	[tilespmem:$0x1498] =	vst v0  }
0x16e: {  	[tilespmem:$0x1488] =	vst v0  }
0x16f: {  	[tilespmem:$0x1478] =	vst v0  }
0x170: {  	[tilespmem:$0x1468] =	vst v0  }
0x171: {  	[tilespmem:$0x1458] =	vst v0  }
0x172: {  	[tilespmem:$0x1448] =	vst v0  }
0x173: {  	[tilespmem:$0x1438] =	vst v0  }
0x174: {  	[tilespmem:$0x1428] =	vst v0  }
0x175: {  	[tilespmem:$0x1418] =	vst v0  }
0x176: {  	[tilespmem:$0x1408] =	vst v0  }
0x177: {  	[tilespmem:$0x13F8] =	vst v0  }
0x178: {  	[tilespmem:$0x13E8] =	vst v0  }
0x179: {  	[tilespmem:$0x13D8] =	vst v0  }
0x17a: {  	[tilespmem:$0x13C8] =	vst v0  }
0x17b: {  	[tilespmem:$0x13B8] =	vst v0  }
0x17c: {  	[tilespmem:$0x13A8] =	vst v0  }
0x17d: {  	[tilespmem:$0x1398] =	vst v0  }
0x17e: {  	[tilespmem:$0x1388] =	vst v0  }
0x17f: {  	[tilespmem:$0x1378] =	vst v0  }
0x180: {  	[tilespmem:$0x1368] =	vst v0  }
0x181: {  	[tilespmem:$0x1358] =	vst v0  }
0x182: {  	[tilespmem:$0x1348] =	vst v0  }
0x183: {  	[tilespmem:$0x1338] =	vst v0  }
0x184: {  	[tilespmem:$0x1328] =	vst v0  }
0x185: {  	[tilespmem:$0x1318] =	vst v0  }
0x186: {  	[tilespmem:$0x1308] =	vst v0  }
0x187: {  	[tilespmem:$0x12F8] =	vst v0  }
0x188: {  	[tilespmem:$0x12E8] =	vst v0  }
0x189: {  	[tilespmem:$0x12D8] =	vst v0  }
0x18a: {  	[tilespmem:$0x12C8] =	vst v0  }
0x18b: {  	[tilespmem:$0x12B8] =	vst v0  }
0x18c: {  	[tilespmem:$0x12A8] =	vst v0  }
0x18d: {  	[tilespmem:$0x1298] =	vst v0  }
0x18e: {  	[tilespmem:$0x1288] =	vst v0  }
0x18f: {  	[tilespmem:$0x1278] =	vst v0  }
0x190: {  	[tilespmem:$0x1268] =	vst v0  }
0x191: {  	[tilespmem:$0x1258] =	vst v0  }
0x192: {  	[tilespmem:$0x1248] =	vst v0  }
0x193: {  	[tilespmem:$0x1238] =	vst v0  }
0x194: {  	[tilespmem:$0x1228] =	vst v0  }
0x195: {  	[tilespmem:$0x1218] =	vst v0  }
0x196: {  	[tilespmem:$0x1208] =	vst v0  }
0x197: {  	[tilespmem:$0x11F8] =	vst v0  }
0x198: {  	[tilespmem:$0x11E8] =	vst v0  }
0x199: {  	[tilespmem:$0x11D8] =	vst v0  }
0x19a: {  	[tilespmem:$0x11C8] =	vst v0  }
0x19b: {  	[tilespmem:$0x11B8] =	vst v0  }
0x19c: {  	[tilespmem:$0x11A8] =	vst v0  }
0x19d: {  	[tilespmem:$0x1198] =	vst v0  }
0x19e: {  	[tilespmem:$0x1188] =	vst v0  }
0x19f: {  	[tilespmem:$0x1178] =	vst v0  }
0x1a0: {  	[tilespmem:$0x1168] =	vst v0  }
0x1a1: {  	[tilespmem:$0x1158] =	vst v0  }
0x1a2: {  	[tilespmem:$0x1148] =	vst v0  }
0x1a3: {  	[tilespmem:$0x1138] =	vst v0  }
0x1a4: {  	[tilespmem:$0x1128] =	vst v0  }
0x1a5: {  	[tilespmem:$0x1118] =	vst v0  }
0x1a6: {  	s4 =	stileid.u32;
	[tilespmem:$0x1108] =	vst v0  }
0x1a7: {  	s0 =	smul.u32 $0x73, s4;
	[tilespmem:$0x10F8] =	vst v0  }
0x1a8: {  	s1 =	smin.u32 s4, $0xC;
	[tilespmem:$0x10E8] =	vst v0  }
0x1a9: {  	[tilespmem:$0x10D8] =	vst v0;
	s0 =	sadd.s32 s1, s0  }
0x1aa: {  	p0 =	slt.u32 s4, $0xC;
	[tilespmem:$0x10A8] =	vst v0;
	s1 =	simm.s32 $0xC3C0;
	s6 =	smul.u32 $0x1B0, s0  }
0x1ab: {  	s1 =	simm.s32 @!p0 $0xC210;
	[tilespmem:$0x10B8] =	vst v0  }
0x1ac: {  	[tilespmem:$0x1098] =	vst v0;
	s0 =	sadd.s32 s1, s6  }
0x1ad: {  	s5 =	simm.s32 $0x2;
	[tilespmem:$0x1028] =	vst v0;
	s7 =	smin.u32 s0, $0xC3500  }
0x1ae: {  	s26 =	simm.s32 $0x9;
	s29 =	simm.s32 $0xA;
	[tilespmem:$0x1088] =	vst v0;
	s0 =	ssub.s32 s7, s6  }
0x1af: {  	s30 =	simm.s32 $0xB;
	s16 =	simm.s32 $0x0;
	[tilespmem:$0x1078] =	vst v0;
	p0 =	sgt.s32 s0, $0x0  }
0x1b0: {  	p4 =	por $0x0, $0x0;
	s17 =	simm.s32 $0xC;
	[tilespmem:$0x1068] =	vst v0;
	s0 =	simm.s32 @!p0 $0x0  }
0x1b1: {  	s21 =	simm.s32 $0x0;
	s18 =	simm.s32 $0x0;
	[tilespmem:$0x1058] =	vst v0;
	s25 =	smulhi.u32 $0x4BDA12F7, s0  }
0x1b2: {  	s20 =	simm.s32 $0x0;
	s3 =	sadd.s32 $0x61C00, s12;
	s8 =	sand.u32 $0x1, s2;
	[tilespmem:$0x1048] =	vst v0  }
0x1b3: {  	s9 =	sadd.s32 $0x833E00, s12;
	s14 =	smul.u32 $0x186A0, s8;
	[tilespmem:$0x1038] =	vst v0;
	s1 =	sshrl.u32 s25, $0x7  }
0x1b4: {  	s31 =	sshll.u32 s4, $0x5;
	[tilespmem:$0x1008] =	vst v0;
	[sflag:s5] =	ssyncpa.u1 $0x0;
	v0 =	vimm.s32 $0xFFFFFFFF;
	s28 =	smul.u32 $0x1B0, s1  }
.Ltmp0:
0x1b5: {  	[dreg:$0x5] =	wrdreg s8;
	[tilespmem:$0x3648] =	vst v0;
	[sflag:s26] =	ssyncpa.u1 $0x0;
	(pc) =	sbr.rel .LBB2_1-.Ltmp0, $4  }
0x1b6: {  	[dreg:$0x4] =	wrdreg s31;
	[sflag:s29] =	ssyncpa.u1 $0x0;
	p0 =	sne.s32 s0, s28  }
0x1b7: {  	s10 =	sadd.s32 s14, s12;
	[sflag:s30] =	ssyncpa.u1 $0x0;
	s13 =	simm.s32 @!p0 $0x0  }
0x1b8: {  	s15 =	sadd.s32 $0x30E00, s10;
	s19 =	smov.u32 s6;
	s13 =	sadd.s32 s13, s1  }
0x1b9: {  	v0 =	vlaneseq.u32;
	[dreg:$0x6] =	wrdreg s6;
	p0 =	por $0x1, $0x1;
	s12 =	sadd.s32 $0x1, s13  }
.LBB2_18:
0x1ba: {  	s0 =	simm.s32 $0x2  }
0x1bb: {  	_ =	swait.ge [sflag:s0], $0x0  }
0x1bc: {  	[sflag:s0] =	ssyncset.done $0x0;
	s0 =	simm.s32 $0x0  }
.LBB2_19:
0x1bd: {  	_ =	swait.ge [sflag:s17], s0  }
0x1be: {  	s31 =	ssub.s32 $0x0, s0;
	v1 =	vmov s23;
	vm0 =	veq.s32 v0, $0x0;
	[sflag:s17] =	ssyncset.done $0x0  }
0x1bf: {  	vm15 =	veq.s32 v0, $0x2;
	v1 =	vsel vm0, s28, v1;
	[sflag:s17] =	ssyncadd.s32 s31  }
0x1c0: {  	v1 =	vsel vm15, s21, v1;
	[sflag:s17] =	ssyncpa.u1 $0x1  }
0x1c1: {  	[tilespmem:$0x3648] =	vst v1  }
.LBB2_20:
0x1c2: {  	s0 =	sadd.s32 $0x1B0, s19  }
0x1c3: {  	s1 =	smov.u32 s6;
	p1 =	slt.s32 s0, s7  }
0x1c4: {  	s1 =	smov.u32 @p1 s0;
	p1 =	sne.s32 s20, s12  }
.Ltmp1:
0x1c5: {  	_ = 	snop;
	(pc) =	sbr.rel @!p1 .LBB2_21-.Ltmp1, $4  }
0x1c6: {  	_ = 	snop  }
0x1c7: {  	s21 =	smov.u32 s18  }
0x1c8: {  	s31 =	sadd.s32 $0x1, s20;
	s18 =	smov.u32 s19;
	p0 =	por !p0, !p0  }
0x1c9: {  	p4 =	por !p4, !p4;
	s20 =	smov.u32 s31;
	s19 =	smov.u32 s1  }
.LBB2_1:
0x1ca: {  	p2 =	sge.u32 s20, s13  }
0x1cb: {  	s0 =	smulhi.u32 @!p2 $0xAAAAAAAB, s20  }
0x1cc: {  	s1 =	smov.u32 s19;
	p3 =	sgt.s32 @!p2 s19, $0xC3350  }
0x1cd: {  	s2 =	sshra.s32 @!p2 s19, $0x1F;
	p3 =	por !p3, p2;
	s0 =	sshrl.u32 @!p2 s0, $0x1  }
0x1ce: {  	s2 =	sand.u32 @!p2 s2, s19;
	s1 =	simm.s32 @p3 $0xC3350;
	s0 =	smul.u32 @!p2 $0x3, s0  }
0x1cf: {  	s1 =	ssub.s32 @!p2 s1, s2  }
0x1d0: {  	s23 =	sadd.s32 $0xFFFFFFFF, s20;
	s1 =	sadd.s32 @!p2 $0xFFF3CCB0, s1;
	s0 =	ssub.s32 @!p2 s20, s0  }
0x1d1: {  	s2 =	sshll.u32 @!p2 s1, $0x2;
	p3 =	sgt.s32 @!p2 s1, $0x1AF;
	s0 =	smul.u32 @!p2 $0x6C0, s0  }
0x1d2: {  	s5 =	sand.u32 @!p2 $0x7, s19;
	s1 =	ssub.s32 @!p2 $0x6C0, s2;
	p3 =	por !p3, p2  }
0x1d3: {  	s2 =	sshrl.u32 @!p2 s19, $0x3;
	s1 =	sshrl.u32 @!p2 s1, $0x2;
	s0 =	sshrl.u32 @!p2 s0, $0x2  }
0x1d4: {  	s2 =	sadd.s32 @!p2 s2, s15;
	s1 =	simm.s32 @!p3 $0x0;
	s0 =	sadd.s32 @!p2 $0x3888, s0  }
0x1d5: {  	[tilespmem:s0], [sflag:$0xA] =	stream.linear.gather @!p2 [hbm4b:s2+s5], s1, $0x38;
	[tilespmem:$0x1F0F8] =	vst v63  }
0x1d6: {  	p2 =	sge.u32 s23, s13  }
0x1d7: {  	p3 =	sgt.s32 @!p2 s18, $0xC3350  }
0x1d8: {  	s0 =	smov.u32 s18;
	s1 =	sshra.s32 @!p2 s18, $0x1F;
	p3 =	por !p3, p2  }
0x1d9: {  	s1 =	sand.u32 @!p2 s1, s18;
	s0 =	simm.s32 @p3 $0xC3350  }
0x1da: {  	s0 =	ssub.s32 @!p2 s0, s1  }
0x1db: {  	s0 =	sadd.s32 @!p2 $0xFFF3CCB0, s0  }
0x1dc: {  	s1 =	sshll.u32 @!p2 s0, $0x2  }
0x1dd: {  	p3 =	sgt.s32 @!p2 s0, $0x1AF;
	s0 =	ssub.s32 @!p2 $0x6C0, s1  }
0x1de: {  	s22 =	ssub.s32 @!p2 $0xC3500, s18;
	p3 =	por !p3, p2;
	s0 =	sshrl.u32 @!p2 s0, $0x2  }
0x1df: {  	s1 =	sand.u32 @!p2 $0x1, s23;
	s0 =	simm.s32 @!p3 $0x0;
	p3 =	slt.s32 @!p2 s22, $0x1  }
0x1e0: {  	s2 =	simm.s32 @!p2 $0xA;
	s1 =	smul.u32 @!p2 $0x6C0, s1;
	p3 =	por p2, p3  }
.Ltmp2:
0x1e1: {  	_ =	swait.ge @!p2 [sflag:s2], s0;
	(pc) =	sbr.rel @p3 .LBB2_7-.Ltmp2, $4  }
0x1e2: {  	s5 =	ssub.s32 @!p2 $0x0, s0;
	[sflag:s2] =	ssyncset.done @!p2 $0x0  }
0x1e3: {  	s1 =	sshrl.u32 @!p2 s1, $0x2;
	[sflag:s2] =	ssyncadd.s32 @!p2 s5;
	s2 =	sshrl.u32 @!p2 s18, $0x3  }
0x1e4: {  	s1 =	sadd.s32 @!p2 $0x3D98, s1;
	s5 =	sand.u32 @!p2 $0x7, s18;
	s2 =	sadd.s32 @!p2 s2, s10  }
0x1e5: {  	[tilespmem:s1], [sflag:$0xB] =	stream.linear.gather @!p2 [hbm4b:s2+s5], s0, $0x38;
	[tilespmem:$0x1F0F8] =	vst v63  }
0x1e6: {  	s0 =	smulhi.u32 $0xAAAAAAAB, s23;
	_ =	sdelay $0x1  }
0x1e7: {  	s0 =	sshrl.u32 s0, $0x1  }
0x1e8: {  	s0 =	smul.u32 $0x3, s0;
	_ =	sdelay $0x1  }
0x1e9: {  	s0 =	ssub.s32 s23, s0  }
0x1ea: {  	s1 =	simm.s32 $0x1;
	s0 =	smul.u32 $0x6C0, s0  }
.Ltmp3:
0x1eb: {  	s1 =	simm.s32 @!p0 $0x0;
	(pc) =	sbr.rel .LBB2_4-.Ltmp3, $4  }
0x1ec: {  	s1 =	smul.u32 $0x36000, s1  }
0x1ed: {  	p3 =	slt.s32 @!p2 s22, $0x1B0;
	s0 =	sshrl.u32 s0, $0x2  }
0x1ee: {  	p2 =	por !p3, p2;
	s1 =	sshrl.u32 s1, $0x2;
	s0 =	sadd.s32 $0x3888, s0  }
0x1ef: {  	s24 =	simm.s32 $0x0;
	s22 =	simm.s32 @p2 $0x1B0;
	s23 =	sadd.s32 $0x40F8, s1;
	v1 =	vmov s0  }
.LBB2_3:
0x1f0: {  	p2 =	sge.s32 s24, s22  }
.Ltmp4:
0x1f1: {  	_ = 	snop;
	(pc) =	sbr.rel @p2 .LBB2_7-.Ltmp4, $2  }
0x1f2: {  	_ =	sdelay $0x2  }
0x1f3: {  	s23 =	sadd.s32 $0x800, s23  }
.LBB2_4:
0x1f4: {  	p2 =	sle.s32 s22, s24  }
.Ltmp5:
0x1f5: {  	_ = 	snop;
	(pc) =	sbr.rel @p2 .LBB2_3-.Ltmp5, $2  }
0x1f6: {  	_ =	sdelay $0x2  }
0x1f7: {  	s0 =	smov.u32 s24;
	s24 =	sadd.s32 $0x10, s24  }
0x1f8: {  	s1 =	ssub.s32 s22, s0  }
0x1f9: {  	p2 =	slt.s32 s1, $0x10  }
0x1fa: {  	s1 =	simm.s32 @!p2 $0x10  }
0x1fb: {  	v2 =	vmov s1  }
0x1fc: {  	vm0 =	vgt.s32 v2, v0;
	_ =	sdelay $0x5  }
0x1fd: {  	v2 =	vld.idx.msk [tilespmem:v1+s0+$0x0 ss:$0x1], vm0;
	_ =	sdelay $0x2  }
0x1fe: {  	p2 =	slt.s32 s24, s22;
	s1 =	smov.u32 s22  }
0x1ff: {  	s2 =	smov.u32 s23;
	s25 =	simm.s32 $0x0;
	s1 =	smov.u32 @p2 s24  }
.LBB2_6:
0x200: {  	(v2sf) =	vpush v2, s25;
	_ =	sdelay $0xc  }
0x201: {  	s25 =	sadd.s32 $0x1, s25  }
0x202: {  	s31 =	sadd.s32 s25, s0  }
0x203: {  	p2 =	slt.s32 s31, s1;
	s5 =	spop (v2sf)  }
.Ltmp6:
0x204: {  	s5 =	sshll.u32 s5, $0x4;
	(pc) =	sbr.rel @p2 .LBB2_6-.Ltmp6, $4  }
0x205: {  	s5 =	sand.u32 $0x1FFFFFF0, s5  }
0x206: {  	s5 =	sadd.s32 s9, s5  }
0x207: {  	[tilespmem:s2], [sflag:$0x9] =	stream.linear.gather [hbm4b:s5+s16], $0x10, $0x38;
	[tilespmem:$0x1F0F8] =	vst v63  }
0x208: {  	s2 =	sadd.s32 $0x80, s2  }
.Ltmp7:
0x209: {  	_ = 	snop;
	(pc) =	sbr.rel .LBB2_3-.Ltmp7, $1  }
0x20a: {  	_ =	sdelay $0x3  }
.LBB2_7:
0x20b: {  	p2 =	slt.u32 s20, $0x2  }
.Ltmp8:
0x20c: {  	_ = 	snop;
	(pc) =	sbr.rel @p2 .LBB2_20-.Ltmp8, $1  }
0x20d: {  	_ =	sdelay $0x3  }
0x20e: {  	p2 =	sgt.s32 s21, $0xC3350  }
0x20f: {  	s0 =	smov.u32 s21;
	s1 =	sshra.s32 s21, $0x1F;
	s2 =	ssub.s32 $0xC3500, s21  }
0x210: {  	s0 =	simm.s32 @!p2 $0xC3350;
	s1 =	sand.u32 s1, s21;
	p2 =	slt.s32 s2, $0x1B0  }
0x211: {  	s0 =	ssub.s32 s0, s1;
	s2 =	simm.s32 @!p2 $0x1B0  }
0x212: {  	s0 =	sadd.s32 $0xFFF3CCB0, s0;
	s24 =	sshll.u32 s2, $0x4  }
0x213: {  	s28 =	simm.s32 $0x9;
	s25 =	sshll.u32 s0, $0x2;
	s1 =	sand.u32 $0x3FFFFFF0, s24  }
0x214: {  	p2 =	sgt.s32 s0, $0x1AF;
	s26 =	ssub.s32 $0x6C0, s25;
	_ =	swait.ge [sflag:s28], s1  }
0x215: {  	s1 =	ssub.s32 $0x0, s1;
	[sflag:s28] =	ssyncset.done $0x0;
	s0 =	sshrl.u32 s26, $0x2  }
0x216: {  	s30 =	simm.s32 $0xB;
	[sflag:s28] =	ssyncadd.s32 s1;
	s0 =	simm.s32 @p2 $0x0  }
0x217: {  	_ =	swait.ge [sflag:s30], s0  }
0x218: {  	s0 =	ssub.s32 $0x0, s0;
	[sflag:s30] =	ssyncset.done $0x0  }
0x219: {  	[sflag:s30] =	ssyncadd.s32 s0  }
0x21a: {  	v1 =	vld [tilespmem:$0x3648];
	_ =	sdelay $0x4  }
0x21b: {  	(v2sf) =	vpush v1, $0x0  }
0x21c: {  	(v2sf) =	vpush v1, $0x1  }
0x21d: {  	(v2sf) =	vpush v1, $0x2;
	_ =	sdelay $0x3  }
0x21e: {  	s0 =	sadd.s32 $0x1B0, s21  }
0x21f: {  	s1 =	ssub.s32 $0x186A00, s21;
	p2 =	slt.s32 s7, s0  }
0x220: {  	s0 =	smov.u32 @p2 s7;
	p2 =	sgt.s32 s1, $0x0  }
0x221: {  	s25 =	ssub.s32 s0, s21;
	s1 =	simm.s32 @!p2 $0x0  }
0x222: {  	p2 =	slt.s32 s1, s25  }
0x223: {  	s25 =	smov.u32 @p2 s1  }
0x224: {  	s24 =	simm.s32 $0x1;
	p2 =	slt.s32 s25, $0x1  }
.Ltmp9:
0x225: {  	s24 =	simm.s32 @!p4 $0x0;
	(pc) =	sbr.rel @p2 .LBB2_12-.Ltmp9, $4  }
0x226: {  	s31 =	smul.u32 $0x6C0, s24  }
0x227: {  	s26 =	spop (v2sf)  }
0x228: {  	s0 =	sshrl.u32 s31, $0x2;
	s29 =	spop (v2sf)  }
0x229: {  	s22 =	sadd.s32 $0x3D98, s0;
	s21 =	spop (v2sf)  }
0x22a: {  	s0 =	smin.u32 s25, $0x10  }
0x22b: {  	v1 =	vmov s0  }
0x22c: {  	p3 =	sgt.s32 s25, $0x10;
	vm1 =	vgt.u32 v1, v0  }
.Ltmp10:
0x22d: {  	_ = 	snop;
	(pc) =	sbr.rel @!p3 .LBB2_11-.Ltmp10, $2  }
0x22e: {  	_ =	sdelay $0x2  }
0x22f: {  	s23 =	simm.s32 $0x10;
	s28 =	sadd.s32 $0xFFFFFFF0, s25;
	s0 =	smov.u32 s22;
	vm0 =	vmmov vm1  }
.LBB2_10:
0x230: {  	s1 =	smin.u32 s28, $0x10;
	s23 =	sadd.s32 $0x10, s23;
	v1 =	vld.msk [tilespmem:s0+$0x0 ss:$0x1], vm1  }
0x231: {  	v2 =	vmov s1;
	p3 =	slt.s32 s23, s25  }
0x232: {  	vm1 =	vgt.u32 v2, v0  }
.Ltmp11:
0x233: {  	(pc) =	sbr.rel @p3 .LBB2_10-.Ltmp11, $3  }
0x234: {  	_ =	sdelay $0x1  }
0x235: {  	v1 =	vshll.u32 v1, $0x4  }
0x236: {  	s28 =	sadd.s32 $0xFFFFFFF0, s28;
	[tilespmem:s0+$0x0] =	vst.msk vm0, v1;
	s0 =	sadd.s32 $0x10, s0;
	vm0 =	vmmov vm1  }
.LBB2_11:
0x237: {  	_ =	sdelay $0x4  }
0x238: {  	v1 =	vld.msk [tilespmem:s0+$0x0 ss:$0x1], vm1;
	_ =	sdelay $0x4  }
0x239: {  	v1 =	vshll.u32 v1, $0x4  }
0x23a: {  	[tilespmem:s0+$0x0] =	vst.msk vm0, v1  }
.LBB2_12:
0x23b: {  	s0 =	sand.u32 $0x1, s20  }
0x23c: {  	s0 =	smul.u32 $0x1B0, s0  }
0x23d: {  	p3 =	sne.s32 s29, $0xFFFFFFFF  }
0x23e: {  	v1 =	vld.msk @!p3 [tilespmem:s0+$0x3D98], $0x1;
	_ =	sdelay $0x4  }
0x23f: {  	(v2sf) =	vpush @!p3 v1, $0x0;
	_ =	sdelay $0xc  }
.Ltmp12:
0x240: {  	_ = 	snop;
	(pc) =	sbr.rel @p2 .LBB2_18-.Ltmp12, $4  }
0x241: {  	_ = 	snop  }
0x242: {  	s28 =	spop @!p3 (v2sf)  }
0x243: {  	s21 =	simm.s32 @!p3 $0x0;
	s23 =	smov.u32 s28  }
0x244: {  	[sflag:s17] =	ssyncpa.u1 $0x0;
	s28 =	smov.u32 @p3 s26;
	s23 =	smov.u32 @p3 s29  }
0x245: {  	v1 =	vld.msk [tilespmem:s22+$0x0], $0x1;
	_ =	sdelay $0x4  }
0x246: {  	(v2sf) =	vpush v1, $0x0;
	_ =	sdelay $0xe  }
0x247: {  	s0 =	simm.s32 @!p4 $0x0;
	s26 =	smul.u32 $0x36000, s24;
	s31 =	spop (v2sf)  }
0x248: {  	s29 =	ssub.s32 $0x0, s25;
	s0 =	simm.s32 @p4 $0x1;
	p2 =	seq.s32 s28, s31  }
0x249: {  	s1 =	smov.u32 s28;
	[smem:$0x7FD] =	sst s0;
	p3 =	sgt.s32 @!p2 s28, $0x0  }
0x24a: {  	s0 =	sshrl.u32 s26, $0x2;
	s26 =	sadd.s32 $0x1, s29;
	p3 =	por !p3, p2  }
0x24b: {  	s1 =	simm.s32 @p3 $0x0;
	p3 =	seq.s32 s26, $0x0  }
.Ltmp13:
0x24c: {  	_ = 	snop;
	(pc) =	sbr.rel @p3 .LBB2_15-.Ltmp13, $4  }
0x24d: {  	s6 =	smov.u32 s10;
	s25 =	simm.s32 $0x0  }
0x24e: {  	s24 =	sadd.s32 $0x40F8, s0;
	s0 =	simm.s32 @!p2 $0x1;
	s2 =	smin.u32 @!p2 s1, $0x30FFFE  }
0x24f: {  	s30 =	sadd.s32 $0x1, s22;
	s0 =	smov.u32 @p2 s25;
	s5 =	sand.u32 @!p2 $0x3FFFF8, s2  }
0x250: {  	s1 =	simm.s32 @!p2 $0x1B38;
	s2 =	sand.u32 @!p2 $0x7, s2;
	s5 =	sadd.s32 @!p2 s3, s5  }
.LBB2_14:
0x251: {  	s4 =	smov.u32 s0  }
0x252: {  	[tilespmem:s1], [sflag:$0x2] =	stream.linear.gather @!p2 [hbm4b:s5+s2], $0x10, $0x38;
	[tilespmem:$0x1F0F8] =	vst v63  }
0x253: {  	s26 =	sadd.s32 $0x1, s26;
	s2 =	smov.u32 s31;
	v1 =	vld.msk [tilespmem:s30+$0x0], $0x1  }
0x254: {  	p3 =	seq.s32 s26, $0x0;
	_ =	sdelay $0x3  }
0x255: {  	(v2sf) =	vpush v1, $0x0;
	_ =	sdelay $0xe  }
0x256: {  	s31 =	spop (v2sf)  }
0x257: {  	p2 =	seq.s32 s2, s31  }
0x258: {  	p4 =	sgt.s32 @!p2 s2, $0x0;
	s1 =	sshll.u32 @!p2 s0, $0x6;
	s0 =	sadd.s32 @!p2 $0x1, s0  }
.Ltmp14:
0x259: {  	p4 =	por !p4, p2;
	s1 =	sshra.s32 @!p2 s1, $0x2;
	(pc) =	sbr.rel @!p3 .LBB2_14-.Ltmp14, $4  }
0x25a: {  	s0 =	smov.u32 @p2 s4;
	s2 =	simm.s32 @p4 $0x0;
	s1 =	sadd.s32 @!p2 $0x1B38, s1  }
0x25b: {  	s2 =	smin.u32 @!p2 s2, $0x30FFFE  }
0x25c: {  	s4 =	sand.u32 @!p2 $0x3FFFF8, s2;
	s2 =	sand.u32 @!p2 $0x7, s2  }
0x25d: {  	s30 =	sadd.s32 $0x1, s30;
	s5 =	sadd.s32 @!p2 s3, s4  }
.LBB2_15:
0x25e: {  	[tilespmem:s1], [sflag:$0x2] =	stream.linear.gather @!p2 [hbm4b:s5+s2], $0x10, $0x38;
	[tilespmem:$0x1F0F8] =	vst v63  }
0x25f: {  	s0 =	sshll.u32 s0, $0x4  }
0x260: {  	s31 =	simm.s32 $0x2;
	s0 =	sand.u32 $0x3FFFFFF0, s0  }
0x261: {  	_ =	swait.ge [sflag:s31], s0  }
0x262: {  	s0 =	ssub.s32 $0x0, s0;
	[sflag:s31] =	ssyncset.done $0x0  }
0x263: {  	[sflag:s31] =	ssyncadd.s32 s0  }
0x264: {  	v1 =	vld.msk [tilespmem:s22+$0x0], $0x1;
	_ =	sdelay $0x4  }
0x265: {  	(v2sf) =	vpush v1, $0x0;
	_ =	sdelay $0xe  }
0x266: {  	s26 =	spop (v2sf)  }
0x267: {  	p2 =	sne.s32 s28, s26  }
0x268: {  	p4 =	sne.s32 @p2 s28, s23  }
0x269: {  	p3 =	por !p4, !p2  }
0x26a: {  	s0 =	simm.s32 @!p3 $0x0  }
0x26b: {  	v1 =	vld @!p3 [tilespmem:s0+$0x1B38]  }
0x26c: {  	p5 =	sgt.u32 @!p3 s28, $0x30FFFE  }
0x26d: {  	s1 =	sshll.u32 @!p3 s21, $0x6;
	p6 =	por @p2 p5, !p4  }
0x26e: {  	s1 =	sshra.s32 @!p3 s1, $0x2;
	p1 =	por p6, !p2;
	p6 =	por p4, !p2  }
0x26f: {  	s2 =	sadd.s32 @!p3 $0x28, s1;
	s4 =	sand.u32 @!p1 $0x3FFFF8, s28;
	s5 =	sshll.u32 @!p6 s21, $0x6  }
0x270: {  	s28 =	sand.u32 @!p1 $0x7, s28;
	[tilespmem:s1+$0x28] =	vst.add.f32.msk @!p3 $0xffff, v1;
	s1 =	sadd.s32 @!p1 s3, s4;
	s4 =	sshra.s32 @!p6 s5, $0x2  }
0x271: {  	[hbm4b:s1+s28] =	stream.linear.scatter @!p1 [tilespmem:s2], [sflag:$0xC], $0x10, $0x38;
	[tilespmem:$0x1F0F8] =	vst v63  }
0x272: {  	s0 =	rddreg [dreg:$0x4];
	s1 =	sadd.s32 @!p6 $0x28, s4;
	s2 =	simm.s32 @!p6 $0x1  }
0x273: {  	[spmem:s0] =	stream.linear.scatter @!p6 [tilespmem:s1], [sflag:$0x1], $0x10, $0x38;
	[tilespmem:$0x1F0F8] =	vst v63  }
0x274: {  	s0 =	sadd.s32 @p2 $0x1, s21;
	_ =	swait.ge @!p6 [sflag:s2], $0x10  }
0x275: {  	s1 =	sshrl.u32 @p2 s0, $0x4;
	[sflag:s2] =	ssyncset.done @!p6 $0x0  }
0x276: {  	s1 =	smulhi.u32 @p2 $0x97B425F, s1;
	[sflag:s2] =	ssyncadd.s32 @!p6 $0xFFFFFFF0  }
0x277: {  	s28 =	sadd.s32 $0x1, s29;
	v1 =	vld @p2 [tilespmem:s24+$0x0]  }
0x278: {  	p1 =	por @p2 !p5, !p4;
	p4 =	seq.s32 s28, $0x0;
	s1 =	smul.u32 @p2 $0x1B0, s1  }
.Ltmp15:
0x279: {  	p1 =	por !p1, !p2;
	s2 =	simm.s32 @!p3 $0x0;
	(pc) =	sbr.rel @p4 .LBB2_17-.Ltmp15, $4  }
0x27a: {  	s4 =	sshll.u32 @!p2 s21, $0x6;
	s2 =	simm.s32 @!p1 $0x40;
	s0 =	ssub.s32 @p2 s0, s1  }
0x27b: {  	s29 =	simm.s32 $0x0;
	s2 =	sadd.s32 @!p3 $0x0, s2;
	s5 =	sshll.u32 @p2 s0, $0x4  }
0x27c: {  	s30 =	sshra.s32 @!p2 s4, $0x2;
	s1 =	simm.s32 @p2 $0x1;
	s2 =	smov.u32 @p3 s25;
	[tilespmem:s5+$0x28] =	vst @p2 v1  }
0x27d: {  	s21 =	smov.u32 @p2 s0;
	s29 =	smov.u32 @p2 s2;
	s25 =	smov.u32 @p2 s1;
	v1 =	vld @!p2 [tilespmem:s24+$0x0]  }
.LBB2_16:
0x27e: {  	_ =	sdelay $0x3  }
0x27f: {  	s22 =	sadd.s32 $0x1, s22;
	[tilespmem:s30+$0x28] =	vst.add.f32.msk @!p2 $0xffff, v1  }
0x280: {  	v1 =	vld.msk [tilespmem:s22+$0x0], $0x1;
	_ =	sdelay $0x4  }
0x281: {  	(v2sf) =	vpush v1, $0x0;
	_ =	sdelay $0xe  }
0x282: {  	s0 =	smov.u32 s26;
	s26 =	spop (v2sf)  }
0x283: {  	p2 =	sne.s32 s0, s26  }
0x284: {  	p5 =	sne.s32 @p2 s0, s23  }
0x285: {  	s4 =	sshll.u32 @!p2 s21, $0x6;
	p4 =	por !p5, !p2  }
0x286: {  	s30 =	sshra.s32 @!p2 s4, $0x2;
	s4 =	sshll.u32 @!p4 s25, $0x6  }
0x287: {  	s4 =	sshra.s32 @!p4 s4, $0x2  }
0x288: {  	p1 =	sgt.u32 @!p4 s0, $0x30FFFE;
	v1 =	vld @!p4 [tilespmem:s4+$0x1B38]  }
0x289: {  	s31 =	sshll.u32 @!p4 s21, $0x6;
	p6 =	por @p2 p1, !p5;
	p1 =	por @p2 !p1, !p5  }
0x28a: {  	s8 =	simm.s32 @!p4 $0x0;
	s31 =	sshra.s32 @!p4 s31, $0x2;
	p1 =	por !p1, !p2  }
0x28b: {  	p5 =	por p5, !p2;
	s8 =	simm.s32 @!p1 $0x40;
	p1 =	por p6, !p2  }
0x28c: {  	s4 =	sadd.s32 @!p4 $0x28, s31;
	s14 =	sshll.u32 @!p5 s21, $0x6;
	s11 =	sand.u32 @!p1 $0x3FFFF8, s0  }
0x28d: {  	s14 =	sshra.s32 @!p5 s14, $0x2;
	s0 =	sand.u32 @!p1 $0x7, s0;
	s11 =	sadd.s32 @!p1 s3, s11;
	[tilespmem:s31+$0x28] =	vst.add.f32.msk @!p4 $0xffff, v1  }
0x28e: {  	[hbm4b:s11+s0] =	stream.linear.scatter @!p1 [tilespmem:s4], [sflag:$0xC], $0x10, $0x38;
	[tilespmem:$0x1F0F8] =	vst v63  }
0x28f: {  	s1 =	rddreg [dreg:$0x4];
	s0 =	sadd.s32 @!p5 $0x28, s14;
	s4 =	simm.s32 @!p5 $0x1  }
0x290: {  	[spmem:s1] =	stream.linear.scatter @!p5 [tilespmem:s0], [sflag:$0x1], $0x10, $0x38;
	[tilespmem:$0x1F0F8] =	vst v63  }
0x291: {  	s2 =	sadd.s32 @p2 $0x1, s21;
	_ =	swait.ge @!p5 [sflag:s4], $0x10  }
0x292: {  	s5 =	sshrl.u32 @p2 s2, $0x4;
	[sflag:s4] =	ssyncset.done @!p5 $0x0  }
0x293: {  	s24 =	sadd.s32 $0x80, s24;
	s5 =	smulhi.u32 @p2 $0x97B425F, s5;
	[sflag:s4] =	ssyncadd.s32 @!p5 $0xFFFFFFF0  }
0x294: {  	s28 =	sadd.s32 $0x1, s28;
	v1 =	vld @p2 [tilespmem:s24+$0x0]  }
0x295: {  	p3 =	seq.s32 s28, $0x0;
	s5 =	smul.u32 @p2 $0x1B0, s5  }
.Ltmp16:
0x296: {  	_ = 	snop;
	(pc) =	sbr.rel @!p3 .LBB2_16-.Ltmp16, $4  }
0x297: {  	s2 =	ssub.s32 @p2 s2, s5  }
0x298: {  	s8 =	sadd.s32 @!p4 s8, s29;
	s5 =	sshll.u32 @p2 s2, $0x4  }
0x299: {  	s10 =	sadd.s32 @p2 $0x1, s25;
	s8 =	smov.u32 @p4 s29;
	[tilespmem:s5+$0x28] =	vst @p2 v1  }
0x29a: {  	s25 =	smov.u32 @p2 s10;
	s21 =	smov.u32 @p2 s2;
	s29 =	smov.u32 @p2 s8;
	v1 =	vld @!p2 [tilespmem:s24+$0x0]  }
.LBB2_17:
.Ltmp17:
0x29b: {  	_ = 	snop;
	(pc) =	sbr.rel .LBB2_19-.Ltmp17, $3  }
0x29c: {  	s1 =	sld [smem:$0x7FD];
	_ =	sdelay $0x1  }
0x29d: {  	s0 =	sshrl.u32 s29, $0x2;
	s28 =	smov.u32 s26  }
0x29e: {  	s10 =	smov.u32 s6;
	s6 =	rddreg [dreg:$0x6];
	p4 =	seq.s32 s1, $0x1;
	[tilespmem:s30+$0x28] =	vst.add.f32.msk @!p2 $0xffff, v1  }
.LBB2_21:
0x29f: {  	_ =	sfence.sel $0x180000  }
0x2a0: {  	s0 =	simm.s32 $0x9;
	[bflag:$0x0] =	sbarrier.arrive $0xFFFF  }
0x2a1: {  	s24 =	simm.s32 $0xA;
	[sflag:s0] =	ssyncpa.u1 $0x1  }
0x2a2: {  	s25 =	simm.s32 $0xB;
	[sflag:s24] =	ssyncpa.u1 $0x1  }
0x2a3: {  	s26 =	simm.s32 $0x2;
	[sflag:s25] =	ssyncpa.u1 $0x1  }
0x2a4: {  	[sflag:s26] =	ssyncpa.u1 $0x1  }
0x2a5: {  	v0 =	vld [tilespmem:$0x3648];
	_ =	sdelay $0x4  }
0x2a6: {  	(v2sf) =	vpush v0, $0x0  }
0x2a7: {  	(v2sf) =	vpush v0, $0x1;
	_ =	sdelay $0x1  }
0x2a8: {  	(v2sf) =	vpush v0, $0x2;
	_ =	sdelay $0xb  }
0x2a9: {  	s0 =	spop (v2sf)  }
0x2aa: {  	s1 =	spop (v2sf)  }
0x2ab: {  	s2 =	smov.u32 s0;
	p0 =	sne.s32 s0, s1  }
0x2ac: {  	s4 =	spop (v2sf);
	s2 =	simm.s32 @!p0 $0xFFFFFFFF  }
0x2ad: {  	v2 =	vimm.s32 $0x1;
	v3 =	vlaneseq.u32;
	p0 =	seq.s32 s4, $0xFFFFFFFF;
	v1 =	vmov s2  }
0x2ae: {  	s16 =	stileid.u32;
	v0 =	vperm.xlane v0, v2;
	p1 =	sne.s32 @!p0 s0, s1;
	v1 =	vperm.xlane v1, v3  }
0x2af: {  	vm0 =	vcmask $0x3F04;
	s6 =	simm.s32 $0x3648;
	s0 =	simm.s32 @!p0 $0x1;
	p1 =	por !p1, p0  }
0x2b0: {  	s2 =	sshll.u32 s16, $0x1;
	s1 =	sshll.u32 @!p0 s4, $0x6;
	s0 =	simm.s32 @p1 $0x0;
	v0 =	vsel vm0, v1, v0  }
0x2b1: {  	s5 =	sor.u32 $0x200, s2;
	s1 =	sshra.s32 @!p0 s1, $0x2;
	s0 =	sor.u32 @!p0 s0, s2;
	[tilespmem:$0x3648] =	vst v0  }
0x2b2: {  	[spmem:s5] =	stream.linear.scatter [tilespmem:s6], [sflag:$0x1], $0x2, $0x38;
	[tilespmem:$0x1F0F8] =	vst v63  }
0x2b3: {  	s1 =	sadd.s32 @!p0 $0x28, s1;
	s0 =	sshll.u32 @!p0 s0, $0x4  }
0x2b4: {  	[spmem:s0] =	stream.linear.scatter @!p0 [tilespmem:s1], [sflag:$0x1], $0x10, $0x38;
	[tilespmem:$0x1F0F8] =	vst v63  }
0x2b5: {  	s0 =	simm.s32 @!p0 $0x12  }
0x2b6: {  	s28 =	simm.s32 $0x1;
	s0 =	simm.s32 @p0 $0x2  }
0x2b7: {  	_ =	swait.ge [sflag:s28], s0  }
0x2b8: {  	s0 =	ssub.s32 $0x0, s0;
	[sflag:s28] =	ssyncset.done $0x0  }
0x2b9: {  	p0 =	sne.s32 s16, $0x0;
	[sflag:s28] =	ssyncadd.s32 s0  }
.Ltmp18:
0x2ba: {  	_ =	sfence.stream.spmem;
	(pc) =	sbr.rel @p0 .LBB2_38-.Ltmp18, $4  }
0x2bb: {  	s29 =	simm.s32 $0x3;
	[bflag:$0x0] =	sbarrier.arrive $0xFFFF  }
0x2bc: {  	s30 =	simm.s32 $0x4;
	[sflag:s29] =	ssyncpa.u1 $0x1  }
0x2bd: {  	s31 =	simm.s32 $0x3C;
	[sflag:s30] =	ssyncpa.u1 $0x1  }
0x2be: {  	s17 =	rddreg [dreg:$0x5];
	[sflag:s31] =	ssyncpa.u1 $0x1  }
0x2bf: {  	_ =	sfence.stream.spmem;
	s0 =	simm.s32 $0x5  }
0x2c0: {  	s1 =	simm.s32 $0x200;
	s2 =	simm.s32 $0x3658;
	[sflag:s0] =	ssyncpa.u1 $0x0  }
0x2c1: {  	[tilespmem:s2], [sflag:$0x5] =	stream.linear.gather [spmem:s1], $0x20, $0x38;
	[tilespmem:$0x1F0F8] =	vst v63  }
0x2c2: {  	s26 =	simm.s32 $0x0;
	s28 =	simm.s32 $0x3678  }
0x2c3: {  	[tilespmem:s28], [sflag:$0x5] =	stream.linear.gather [spmem:s26], $0x200, $0x38;
	[tilespmem:$0x1F0F8] =	vst v63  }
0x2c4: {  	_ =	swait.ge [sflag:s0], $0x220  }
0x2c5: {  	[sflag:s0] =	ssyncset.done $0x0  }
0x2c6: {  	s29 =	simm.s32 $0x0;
	[sflag:s0] =	ssyncadd.s32 $0xFFFFFDE0  }
0x2c7: {  	v0 =	vld.msk [tilespmem:s29+$0x3658], $0x1;
	_ =	sdelay $0x1  }
0x2c8: {  	s30 =	simm.s32 $0x1  }
0x2c9: {  	v1 =	vld.msk [tilespmem:s30+$0x3658], $0x1;
	_ =	sdelay $0x1  }
0x2ca: {  	(v2sf) =	vpush v0, $0x0;
	_ =	sdelay $0x2  }
0x2cb: {  	(v2sf) =	vpush v1, $0x0;
	_ =	sdelay $0x2  }
0x2cc: {  	s31 =	simm.s32 $0x2  }
0x2cd: {  	v0 =	vld.msk [tilespmem:s31+$0x3658], $0x1;
	_ =	sdelay $0x2  }
0x2ce: {  	s6 =	simm.s32 $0xFFFFFFFF;
	s1 =	simm.s32 $0xFFFFFFFF;
	s0 =	simm.s32 $0xC  }
.LBB2_23:
0x2cf: {  	s2 =	smov.u32 s6;
	s4 =	smov.u32 s1  }
0x2d0: {  	s1 =	sshra.s32 s0, $0x2;
	p1 =	sne.s32 s0, $0x7C;
	s0 =	sadd.s32 $0x4, s0;
	(v2sf) =	vpush v0, $0x0  }
0x2d1: {  	v0 =	vld.msk [tilespmem:s1+$0x3658], $0x1  }
.Ltmp19:
0x2d2: {  	(pc) =	sbr.rel @p1 .LBB2_23-.Ltmp19, $4  }
0x2d3: {  	s6 =	spop (v2sf)  }
0x2d4: {  	p2 =	sne.s32 s4, $0xFFFFFFFF;
	s1 =	smov.u32 s6  }
0x2d5: {  	p3 =	seq.s32 s6, $0xFFFFFFFF;
	s1 =	smov.u32 @p2 s4  }
0x2d6: {  	s6 =	smov.u32 @p3 s2;
	s1 =	smov.u32 @p3 s4  }
0x2d7: {  	(v2sf) =	vpush v0, $0x0;
	_ =	sdelay $0x8  }
0x2d8: {  	s0 =	spop (v2sf)  }
0x2d9: {  	p1 =	sne.s32 s1, $0xFFFFFFFF;
	s2 =	smov.u32 s0  }
0x2da: {  	s9 =	simm.s32 $0x6;
	p2 =	seq.s32 s0, $0xFFFFFFFF;
	s2 =	smov.u32 @p1 s1  }
0x2db: {  	s10 =	simm.s32 $0x3638;
	s2 =	smov.u32 @p2 s1;
	s1 =	spop (v2sf)  }
0x2dc: {  	s0 =	smov.u32 @p2 s6;
	p1 =	sne.s32 s2, $0xFFFFFFFF;
	s4 =	smov.u32 s1  }
.Ltmp20:
0x2dd: {  	p2 =	seq.s32 s1, $0xFFFFFFFF;
	s4 =	smov.u32 @p1 s2;
	(pc) =	sbr.rel .LBB2_25-.Ltmp20, $4  }
0x2de: {  	s11 =	simm.s32 $0x0;
	s4 =	smov.u32 @p2 s2;
	s7 =	spop (v2sf)  }
0x2df: {  	[sflag:s9] =	ssyncpa.u1 $0x0;
	p1 =	sne.s32 s4, $0xFFFFFFFF;
	s8 =	smov.u32 s7  }
0x2e0: {  	s1 =	smov.u32 @p2 s0;
	p2 =	seq.s32 s7, $0xFFFFFFFF;
	s8 =	smov.u32 @p1 s4  }
0x2e1: {  	s6 =	simm.s32 $0x0;
	s7 =	smov.u32 @p2 s1;
	s8 =	smov.u32 @p2 s4  }
.LBB2_30:
0x2e2: {  	p1 =	sgt.u32 s12, $0x30FFFE  }
0x2e3: {  	p2 =	seq.s32 @!p1 s12, s8  }
0x2e4: {  	p1 =	por p1, p2  }
0x2e5: {  	p2 =	sne.s32 @!p1 s12, s7  }
0x2e6: {  	p1 =	por p1, !p2  }
0x2e7: {  	s0 =	sshll.u32 @p1 s11, $0x6  }
0x2e8: {  	s0 =	sand.u32 @!p1 $0x3FFFF8, s12  }
0x2e9: {  	s1 =	sand.u32 @!p1 $0x7, s12;
	s0 =	sadd.s32 @!p1 s3, s0  }
0x2ea: {  	[tilespmem:s10], [sflag:$0x6] =	stream.linear.gather @!p1 [hbm4b:s0+s1], $0x10, $0x38;
	[tilespmem:$0x1F0F8] =	vst v63  }
0x2eb: {  	_ =	swait.ge @!p1 [sflag:s9], $0x10  }
0x2ec: {  	[sflag:s9] =	ssyncset.done @!p1 $0x0  }
0x2ed: {  	[sflag:s9] =	ssyncadd.s32 @!p1 $0xFFFFFFF0  }
0x2ee: {  	v1 =	vld @!p1 [tilespmem:$0x3638];
	_ =	sdelay $0x2  }
0x2ef: {  	s0 =	sshll.u32 @!p1 s11, $0x6  }
0x2f0: {  	s1 =	sshrl.u32 @!p1 s0, $0x2  }
0x2f1: {  	[tilespmem:s1+$0x3678] =	vst.add.f32.msk @!p1 $0xffff, v1  }
0x2f2: {  	s0 =	sshrl.u32 s0, $0x2;
	[tilespmem:s6+$0x3658] =	vst.msk $0x1, v0  }
0x2f3: {  	v0 =	vld [tilespmem:s0+$0x3678];
	_ =	sdelay $0x2  }
0x2f4: {  	s31 =	sshll.u32 s6, $0x6  }
0x2f5: {  	s0 =	sshra.s32 s31, $0x2  }
0x2f6: {  	s6 =	sadd.s32 $0x1, s6;
	[tilespmem:s0+$0x3678] =	vst v0  }
.LBB2_32:
0x2f7: {  	s11 =	sadd.s32 $0x1, s11  }
0x2f8: {  	p1 =	sne.s32 s11, $0x20  }
.Ltmp21:
0x2f9: {  	_ = 	snop;
	(pc) =	sbr.rel @!p1 .LBB2_33-.Ltmp21, $1  }
0x2fa: {  	_ =	sdelay $0x3  }
.LBB2_25:
0x2fb: {  	v0 =	vld.msk [tilespmem:s11+$0x3658], $0x1;
	_ =	sdelay $0x4  }
0x2fc: {  	(v2sf) =	vpush v0, $0x0;
	_ =	sdelay $0xe  }
0x2fd: {  	s12 =	spop (v2sf)  }
0x2fe: {  	p1 =	seq.s32 s12, $0xFFFFFFFF  }
.Ltmp22:
0x2ff: {  	_ = 	snop;
	(pc) =	sbr.rel @p1 .LBB2_32-.Ltmp22, $1  }
0x300: {  	_ =	sdelay $0x3  }
0x301: {  	p1 =	slt.s32 s6, $0x1  }
.Ltmp23:
0x302: {  	_ = 	snop;
	(pc) =	sbr.rel @p1 .LBB2_30-.Ltmp23, $1  }
0x303: {  	_ =	sdelay $0x3  }
0x304: {  	s13 =	simm.s32 $0x3658;
	p1 =	por $0x0, $0x0  }
0x305: {  	v1 =	vld.msk @!p1 [tilespmem:s13+$0x0], $0x1;
	_ =	sdelay $0x4  }
0x306: {  	(v2sf) =	vpush @!p1 v1, $0x0;
	_ =	sdelay $0xd  }
0x307: {  	p3 =	sne.s32 s6, $0x1  }
.Ltmp24:
0x308: {  	s0 =	spop @!p1 (v2sf);
	(pc) =	sbr.rel @!p3 .LBB2_29-.Ltmp24, $4  }
0x309: {  	p2 =	seq.s32 @!p1 s12, s0  }
0x30a: {  	s14 =	simm.s32 $0x0;
	p2 =	por !p2, p1  }
0x30b: {  	s0 =	simm.s32 $0xFFFFFFFF;
	s14 =	simm.s32 @p2 $0xFFFFFFFF  }
0x30c: {  	s15 =	simm.s32 $0x1;
	s14 =	smov.u32 @p1 s0  }
.LBB2_28:
0x30d: {  	s0 =	smov.u32 s14;
	p1 =	sne.s32 s14, $0xFFFFFFFF  }
0x30e: {  	s13 =	sadd.s32 $0x1, s13;
	s14 =	smov.u32 s15;
	s15 =	sadd.s32 $0x1, s15  }
0x30f: {  	p2 =	sne.s32 s6, s15;
	v1 =	vld.msk @!p1 [tilespmem:s13+$0x0], $0x1;
	_ =	sdelay $0x4  }
0x310: {  	(v2sf) =	vpush @!p1 v1, $0x0;
	_ =	sdelay $0xe  }
.Ltmp25:
0x311: {  	s1 =	spop @!p1 (v2sf);
	(pc) =	sbr.rel @p2 .LBB2_28-.Ltmp25, $4  }
0x312: {  	p3 =	seq.s32 @!p1 s12, s1  }
0x313: {  	p3 =	por !p3, p1  }
0x314: {  	s14 =	simm.s32 @p3 $0xFFFFFFFF  }
0x315: {  	s14 =	smov.u32 @p1 s0  }
.LBB2_29:
0x316: {  	p1 =	sne.s32 s14, $0xFFFFFFFF  }
.Ltmp26:
0x317: {  	_ = 	snop;
	(pc) =	sbr.rel @!p1 .LBB2_30-.Ltmp26, $1  }
0x318: {  	_ =	sdelay $0x3  }
0x319: {  	s0 =	sshll.u32 s11, $0x4  }
0x31a: {  	s0 =	sand.u32 $0x3FFFFFF0, s0  }
0x31b: {  	v0 =	vld [tilespmem:s0+$0x3678]  }
.Ltmp27:
0x31c: {  	_ = 	snop;
	(pc) =	sbr.rel .LBB2_32-.Ltmp27, $4  }
0x31d: {  	_ = 	snop  }
0x31e: {  	s31 =	sshll.u32 s14, $0x6  }
0x31f: {  	s0 =	sshra.s32 s31, $0x2  }
0x320: {  	[tilespmem:s0+$0x3678] =	vst.add.f32.msk $0xffff, v0  }
.LBB2_33:
0x321: {  	s0 =	simm.s32 $0x6;
	p1 =	seq.s32 s6, $0x0  }
0x322: {  	[sflag:s0] =	ssyncpa.u1 $0x1;
	v0 =	vimm.s32 @p1 $0xFFFFFFFF  }
0x323: {  	s9 =	sadd.s32 $0xFFFFFFFF, s6;
	[tilespmem:$0x3878] =	vst @p1 v0  }
0x324: {  	v0 =	vld.msk @!p1 [tilespmem:s9+$0x3658], $0x1;
	_ =	sdelay $0x1  }
0x325: {  	v1 =	vld.msk @!p1 [tilespmem:$0x3658], $0x1;
	_ =	sdelay $0x2  }
0x326: {  	p2 =	seq.s32 @!p1 s9, $0x0;
	v0 =	vbroadcast @!p1 v0, $0x0  }
0x327: {  	vm0 =	vmmov @!p1 $0x1;
	p2 =	por !p2, p1  }
0x328: {  	v1 =	vnsel @!p1 vm0, $0xFFFFFFFF, v1;
	vm0 =	vcmask @!p1 $0x308;
	v0 =	vpsel !p2, $0xFFFFFFFF, v0  }
0x329: {  	p2 =	sne.s32 @!p1 s8, s7;
	v0 =	vsel @!p1 vm0, v1, v0  }
0x32a: {  	s0 =	simm.s32 @!p1 $0x3678;
	s1 =	simm.s32 @!p1 $0x0;
	p3 =	por !p2, p1;
	[tilespmem:$0x3878] =	vst @!p1 v0  }
0x32b: {  	[spmem:s1] =	stream.linear.scatter @!p1 [tilespmem:s0], [sflag:$0x1], $0x10, $0x38;
	[tilespmem:$0x1F0F8] =	vst v63  }
0x32c: {  	s0 =	sshll.u32 @!p3 s9, $0x6  }
0x32d: {  	s0 =	sshra.s32 @!p3 s0, $0x2  }
0x32e: {  	s1 =	simm.s32 @!p3 $0x10;
	s0 =	sadd.s32 @!p3 $0x3678, s0  }
0x32f: {  	[spmem:s1] =	stream.linear.scatter @!p3 [tilespmem:s0], [sflag:$0x1], $0x10, $0x38;
	[tilespmem:$0x1F0F8] =	vst v63  }
0x330: {  	s0 =	simm.s32 @!p3 $0x1  }
0x331: {  	_ =	swait.ge @!p3 [sflag:s0], $0x20  }
0x332: {  	p1 =	por p2, p1;
	[sflag:s0] =	ssyncset.done @!p3 $0x0  }
0x333: {  	[sflag:s0] =	ssyncadd.s32 @!p3 $0xFFFFFFE0;
	s0 =	simm.s32 @!p1 $0x1  }
0x334: {  	_ =	swait.ge @!p1 [sflag:s0], $0x10  }
0x335: {  	s29 =	simm.s32 $0x3878;
	[sflag:s0] =	ssyncset.done @!p1 $0x0  }
0x336: {  	s30 =	simm.s32 $0x200;
	s31 =	simm.s32 $0x1;
	[sflag:s0] =	ssyncadd.s32 @!p1 $0xFFFFFFF0  }
0x337: {  	[spmem:s30] =	stream.linear.scatter [tilespmem:s29], [sflag:$0x1], $0x10, $0x38;
	[tilespmem:$0x1F0F8] =	vst v63  }
0x338: {  	_ =	swait.ge [sflag:s31], $0x10  }
0x339: {  	[sflag:s31] =	ssyncset.done $0x0  }
0x33a: {  	p1 =	seq.s32 s17, $0x0;
	s8 =	rddreg [dreg:$0x1];
	[sflag:s31] =	ssyncadd.s32 $0xFFFFFFF0  }
0x33b: {  	s1 =	sshll.u32 @p1 s8, $0xE;
	s7 =	rddreg [dreg:$0x2]  }
0x33c: {  	s0 =	sadd.s32 @p1 $0x15C3C, s1;
	s1 =	sshll.u32 @p1 s7, $0x11  }
0x33d: {  	_ =	sfence.stream.spmem;
	s0 =	sor.u32 @p1 s1, s0  }
0x33e: {  	[sflag:s0] =	ssyncadd.remote.s32 @p1 $0x1;
	s0 =	simm.s32 @p1 $0x4  }
0x33f: {  	s2 =	simm.s32 @!p1 $0x3C;
	s1 =	sand.u32 $0xFFFFFFFE, s8;
	_ =	swait.ge @p1 [sflag:s0], $0x6  }
0x340: {  	s4 =	simm.s32 @!p1 $0x0;
	s1 =	sadd.s32 @!p1 $0x4, s1;
	[sflag:s0] =	ssyncset.done @p1 $0x0  }
0x341: {  	s5 =	simm.s32 @!p1 $0x20;
	[sflag:s0] =	ssyncadd.s32 @p1 $0xFFFFFFFA;
	s0 =	sshll.u32 @!p1 s1, $0x1A  }
0x342: {  	s1 =	sshll.u32 @!p1 s1, $0xD;
	s0 =	sor.u32 @!p1 s0, s7;
	_ =	swait.eq @!p1 [sflag:s2], $0x1  }
0x343: {  	s1 =	sor.u32 @!p1 $0x1C04, s1;
	s2 =	simm.s32 @!p1 $0x1C03;
	s0 =	sor.u32 @!p1 $0x80004000, s0  }
0x344: {  	[spmem:s5], [sflag:s1] =	dma.general @!p1 [spmem:s4], [sflag:s2], length:$0x4, [dreg:$0x0], stride_count:$0x0, ici_dest:s0, dma_misc:DstOpCode:WRITE  }
0x345: {  	p2 =	slt.s32 s9, $0x2;
	s4 =	simm.s32 @!p1 $0x40;
	s5 =	simm.s32 @!p1 $0x42  }
0x346: {  	[spmem:s5], [sflag:s1] =	dma.general @!p1 [spmem:s4], [sflag:s2], length:$0x2, [dreg:$0x0], stride_count:$0x0, ici_dest:s0, dma_misc:DstOpCode:WRITE  }
.Ltmp28:
0x347: {  	s0 =	simm.s32 @!p1 $0x3;
	(pc) =	sbr.rel @p2 .LBB2_37-.Ltmp28, $4  }
0x348: {  	s1 =	sshll.u32 @!p1 s8, $0xE;
	_ =	swait.ge @!p1 [sflag:s0], $0x6  }
0x349: {  	s2 =	sshll.u32 @!p1 s7, $0x11;
	s1 =	sadd.s32 @!p1 $0x11C3C, s1;
	[sflag:s0] =	ssyncset.done @!p1 $0x0  }
0x34a: {  	[sflag:s0] =	ssyncadd.s32 @!p1 $0xFFFFFFFA;
	s0 =	sor.u32 @!p1 s2, s1  }
0x34b: {  	[sflag:s0] =	ssyncadd.remote.s32 @!p1 $0xFFFFFFFF;
	s0 =	simm.s32 $0x0  }
0x34c: {  	s0 =	simm.s32 $0x3659  }
0x34d: {  	v0 =	vld.msk [tilespmem:s0+$0x0], $0x1;
	_ =	sdelay $0x4  }
0x34e: {  	(v2sf) =	vpush v0, $0x0;
	_ =	sdelay $0xd  }
0x34f: {  	s2 =	sadd.s32 $0xFFFFFFFE, s6  }
0x350: {  	s2 =	sadd.s32 $0xFFFFFFFF, s2;
	s0 =	spop (v2sf)  }
0x351: {  	p2 =	sne.s32 s2, $0x0;
	p1 =	sgt.u32 s0, $0x30FFFE  }
.Ltmp29:
0x352: {  	s4 =	sand.u32 @!p1 $0x3FFFF8, s0;
	(pc) =	sbr.rel @!p2 .LBB2_36-.Ltmp29, $4  }
0x353: {  	s1 =	simm.s32 $0x3688;
	s0 =	sand.u32 @!p1 $0x7, s0;
	s4 =	sadd.s32 @!p1 s3, s4  }
0x354: {  	[hbm4b:s4+s0] =	stream.linear.scatter @!p1 [tilespmem:s1], [sflag:$0x5], $0x10, $0x38;
	[tilespmem:$0x1F0F8] =	vst v63  }
0x355: {  	s0 =	simm.s32 $0x0  }
0x356: {  	s6 =	simm.s32 $0x0;
	s7 =	simm.s32 $0x365A;
	s0 =	simm.s32 @!p1 $0x40  }
.LBB2_35:
0x357: {  	v0 =	vld.msk [tilespmem:s7+$0x0], $0x1;
	s2 =	sadd.s32 $0xFFFFFFFF, s2;
	s6 =	sadd.s32 s6, s0  }
0x358: {  	p1 =	sne.s32 s2, $0x0;
	_ =	sdelay $0x3  }
0x359: {  	(v2sf) =	vpush v0, $0x0;
	_ =	sdelay $0xe  }
.Ltmp30:
0x35a: {  	s4 =	spop (v2sf);
	(pc) =	sbr.rel @p1 .LBB2_35-.Ltmp30, $4  }
0x35b: {  	s0 =	simm.s32 $0x0;
	p2 =	sgt.u32 s4, $0x30FFFE  }
0x35c: {  	s1 =	sadd.s32 $0x10, s1;
	s0 =	simm.s32 @!p2 $0x40;
	s5 =	sand.u32 @!p2 $0x3FFFF8, s4  }
0x35d: {  	s7 =	sadd.s32 $0x1, s7;
	s4 =	sand.u32 @!p2 $0x7, s4;
	s5 =	sadd.s32 @!p2 s3, s5  }
0x35e: {  	[hbm4b:s5+s4] =	stream.linear.scatter @!p2 [tilespmem:s1], [sflag:$0x5], $0x10, $0x38;
	[tilespmem:$0x1F0F8] =	vst v63  }
.LBB2_36:
0x35f: {  	s0 =	sadd.s32 s6, s0  }
0x360: {  	s0 =	sshrl.u32 s0, $0x2  }
.LBB2_37:
0x361: {  	s1 =	simm.s32 $0x5  }
0x362: {  	_ =	swait.ge [sflag:s1], s0  }
0x363: {  	s31 =	ssub.s32 $0x0, s0;
	[sflag:s1] =	ssyncset.done $0x0  }
0x364: {  	[sflag:s1] =	ssyncadd.s32 s31  }
0x365: {  	[sflag:s1] =	ssyncpa.u1 $0x1  }
.LBB2_38:
0x366: {  	s0 =	sor.u32 s17, s16  }
0x367: {  	p1 =	sne.s32 s0, $0x0  }
.Ltmp31:
0x368: {  	_ = 	snop;
	(pc) =	sbr.rel @p1 .LBB2_53-.Ltmp31, $3  }
0x369: {  	_ =	sdelay $0x1  }
0x36a: {  	[bflag:$0x0] =	sbarrier.arrive $0xFFFF  }
0x36b: {  	_ =	sfence  }
0x36c: {  	s0 =	simm.s32 $0x7  }
0x36d: {  	s1 =	simm.s32 $0x200;
	s2 =	simm.s32 $0x3658;
	[sflag:s0] =	ssyncpa.u1 $0x0  }
0x36e: {  	[tilespmem:s2], [sflag:$0x7] =	stream.linear.gather [spmem:s1], $0x20, $0x38;
	[tilespmem:$0x1F0F8] =	vst v63  }
0x36f: {  	s30 =	simm.s32 $0x3678;
	s1 =	simm.s32 $0x0  }
0x370: {  	[tilespmem:s30], [sflag:$0x7] =	stream.linear.gather [spmem:s1], $0x200, $0x38;
	[tilespmem:$0x1F0F8] =	vst v63  }
.Ltmp32:
0x371: {  	_ = 	snop;
	(pc) =	sbr.rel .LBB2_40-.Ltmp32, $4  }
0x372: {  	_ =	swait.ge [sflag:s0], $0x220  }
0x373: {  	[sflag:s0] =	ssyncset.done $0x0  }
0x374: {  	s31 =	simm.s32 $0x8;
	[sflag:s0] =	ssyncadd.s32 $0xFFFFFDE0  }
0x375: {  	s2 =	simm.s32 $0x0;
	[sflag:s31] =	ssyncpa.u1 $0x0  }
.LBB2_45:
0x376: {  	p1 =	slt.u32 s4, $0x30FFFF  }
0x377: {  	s0 =	sand.u32 @p1 $0x3FFFF8, s4  }
0x378: {  	s4 =	sand.u32 @p1 $0x7, s4;
	s5 =	simm.s32 @p1 $0x3638;
	s0 =	sadd.s32 @p1 s3, s0  }
0x379: {  	[tilespmem:s5], [sflag:$0x8] =	stream.linear.gather @p1 [hbm4b:s0+s4], $0x10, $0x38;
	[tilespmem:$0x1F0F8] =	vst v63  }
0x37a: {  	s0 =	simm.s32 @p1 $0x8  }
0x37b: {  	_ =	swait.ge @p1 [sflag:s0], $0x10  }
0x37c: {  	[sflag:s0] =	ssyncset.done @p1 $0x0  }
0x37d: {  	[sflag:s0] =	ssyncadd.s32 @p1 $0xFFFFFFF0  }
0x37e: {  	v1 =	vld @p1 [tilespmem:$0x3638];
	_ =	sdelay $0x2  }
0x37f: {  	s0 =	sshll.u32 @p1 s2, $0x6  }
0x380: {  	s5 =	sshll.u32 @!p1 s2, $0x6;
	s4 =	sshrl.u32 @p1 s0, $0x2  }
0x381: {  	s5 =	smov.u32 @p1 s0;
	[tilespmem:s4+$0x3678] =	vst.add.f32.msk @p1 $0xffff, v1  }
0x382: {  	s0 =	sshrl.u32 s5, $0x2;
	[tilespmem:s1+$0x3658] =	vst.msk $0x1, v0  }
0x383: {  	v0 =	vld [tilespmem:s0+$0x3678];
	_ =	sdelay $0x2  }
0x384: {  	s31 =	sshll.u32 s1, $0x6  }
0x385: {  	s0 =	sshra.s32 s31, $0x2  }
0x386: {  	s1 =	sadd.s32 $0x1, s1;
	[tilespmem:s0+$0x3678] =	vst v0  }
.LBB2_47:
0x387: {  	s2 =	sadd.s32 $0x1, s2  }
0x388: {  	p1 =	sne.s32 s2, $0x20  }
.Ltmp33:
0x389: {  	_ = 	snop;
	(pc) =	sbr.rel @!p1 .LBB2_48-.Ltmp33, $1  }
0x38a: {  	_ =	sdelay $0x3  }
.LBB2_40:
0x38b: {  	v0 =	vld.msk [tilespmem:s2+$0x3658], $0x1;
	_ =	sdelay $0x4  }
0x38c: {  	(v2sf) =	vpush v0, $0x0;
	_ =	sdelay $0xe  }
0x38d: {  	s4 =	spop (v2sf)  }
0x38e: {  	p1 =	seq.s32 s4, $0xFFFFFFFF  }
.Ltmp34:
0x38f: {  	_ = 	snop;
	(pc) =	sbr.rel @p1 .LBB2_47-.Ltmp34, $1  }
0x390: {  	_ =	sdelay $0x3  }
0x391: {  	p1 =	slt.s32 s1, $0x1  }
.Ltmp35:
0x392: {  	_ = 	snop;
	(pc) =	sbr.rel @p1 .LBB2_45-.Ltmp35, $1  }
0x393: {  	_ =	sdelay $0x3  }
0x394: {  	s5 =	simm.s32 $0x3658;
	p1 =	por $0x0, $0x0  }
0x395: {  	v1 =	vld.msk @!p1 [tilespmem:s5+$0x0], $0x1;
	_ =	sdelay $0x4  }
0x396: {  	(v2sf) =	vpush @!p1 v1, $0x0;
	_ =	sdelay $0xd  }
0x397: {  	p3 =	sne.s32 s1, $0x1  }
.Ltmp36:
0x398: {  	s0 =	spop @!p1 (v2sf);
	(pc) =	sbr.rel @!p3 .LBB2_44-.Ltmp36, $4  }
0x399: {  	p2 =	seq.s32 @!p1 s4, s0  }
0x39a: {  	s6 =	simm.s32 $0x0;
	p2 =	por !p2, p1  }
0x39b: {  	s0 =	simm.s32 $0xFFFFFFFF;
	s6 =	simm.s32 @p2 $0xFFFFFFFF  }
0x39c: {  	s7 =	simm.s32 $0x1;
	s6 =	smov.u32 @p1 s0  }
.LBB2_43:
0x39d: {  	s0 =	smov.u32 s6;
	p1 =	sne.s32 s6, $0xFFFFFFFF  }
0x39e: {  	s5 =	sadd.s32 $0x1, s5;
	s6 =	smov.u32 s7;
	s7 =	sadd.s32 $0x1, s7  }
0x39f: {  	p2 =	sne.s32 s1, s7;
	v1 =	vld.msk @!p1 [tilespmem:s5+$0x0], $0x1;
	_ =	sdelay $0x4  }
0x3a0: {  	(v2sf) =	vpush @!p1 v1, $0x0;
	_ =	sdelay $0xe  }
.Ltmp37:
0x3a1: {  	s8 =	spop @!p1 (v2sf);
	(pc) =	sbr.rel @p2 .LBB2_43-.Ltmp37, $4  }
0x3a2: {  	p3 =	seq.s32 @!p1 s4, s8  }
0x3a3: {  	p3 =	por !p3, p1  }
0x3a4: {  	s6 =	simm.s32 @p3 $0xFFFFFFFF  }
0x3a5: {  	s6 =	smov.u32 @p1 s0  }
.LBB2_44:
0x3a6: {  	p1 =	sne.s32 s6, $0xFFFFFFFF  }
.Ltmp38:
0x3a7: {  	_ = 	snop;
	(pc) =	sbr.rel @!p1 .LBB2_45-.Ltmp38, $1  }
0x3a8: {  	_ =	sdelay $0x3  }
0x3a9: {  	s0 =	sshll.u32 s2, $0x4  }
0x3aa: {  	s0 =	sand.u32 $0x3FFFFFF0, s0  }
0x3ab: {  	v0 =	vld [tilespmem:s0+$0x3678]  }
.Ltmp39:
0x3ac: {  	_ = 	snop;
	(pc) =	sbr.rel .LBB2_47-.Ltmp39, $4  }
0x3ad: {  	_ = 	snop  }
0x3ae: {  	s31 =	sshll.u32 s6, $0x6  }
0x3af: {  	s0 =	sshra.s32 s31, $0x2  }
0x3b0: {  	[tilespmem:s0+$0x3678] =	vst.add.f32.msk $0xffff, v0  }
.LBB2_48:
0x3b1: {  	p1 =	slt.s32 s1, $0x1  }
.Ltmp40:
0x3b2: {  	_ = 	snop;
	(pc) =	sbr.rel @p1 .LBB2_52-.Ltmp40, $3  }
0x3b3: {  	_ =	sdelay $0x1  }
0x3b4: {  	s0 =	simm.s32 $0x8  }
0x3b5: {  	s2 =	simm.s32 $0x0;
	[sflag:s0] =	ssyncpa.u1 $0x1  }
0x3b6: {  	s0 =	simm.s32 $0x3658  }
0x3b7: {  	v0 =	vld.msk [tilespmem:s0+$0x0], $0x1;
	_ =	sdelay $0x4  }
0x3b8: {  	(v2sf) =	vpush v0, $0x0;
	_ =	sdelay $0xe  }
0x3b9: {  	s1 =	sadd.s32 $0xFFFFFFFF, s1;
	s0 =	spop (v2sf)  }
0x3ba: {  	p2 =	sne.s32 s1, $0x0;
	p1 =	sgt.u32 s0, $0x30FFFE  }
.Ltmp41:
0x3bb: {  	s5 =	sand.u32 @!p1 $0x3FFFF8, s0;
	(pc) =	sbr.rel @!p2 .LBB2_51-.Ltmp41, $4  }
0x3bc: {  	s4 =	simm.s32 $0x3678;
	s0 =	sand.u32 @!p1 $0x7, s0;
	s5 =	sadd.s32 @!p1 s3, s5  }
0x3bd: {  	[hbm4b:s5+s0] =	stream.linear.scatter @!p1 [tilespmem:s4], [sflag:$0x7], $0x10, $0x38;
	[tilespmem:$0x1F0F8] =	vst v63  }
0x3be: {  	s0 =	simm.s32 $0x0  }
0x3bf: {  	s5 =	simm.s32 $0x3659;
	s0 =	simm.s32 @!p1 $0x40  }
.LBB2_50:
0x3c0: {  	v0 =	vld.msk [tilespmem:s5+$0x0], $0x1;
	s1 =	sadd.s32 $0xFFFFFFFF, s1;
	s2 =	sadd.s32 s2, s0  }
0x3c1: {  	p1 =	sne.s32 s1, $0x0;
	_ =	sdelay $0x3  }
0x3c2: {  	(v2sf) =	vpush v0, $0x0;
	_ =	sdelay $0xe  }
.Ltmp42:
0x3c3: {  	s6 =	spop (v2sf);
	(pc) =	sbr.rel @p1 .LBB2_50-.Ltmp42, $4  }
0x3c4: {  	s0 =	simm.s32 $0x0;
	p2 =	sgt.u32 s6, $0x30FFFE  }
0x3c5: {  	s4 =	sadd.s32 $0x10, s4;
	s0 =	simm.s32 @!p2 $0x40;
	s7 =	sand.u32 @!p2 $0x3FFFF8, s6  }
0x3c6: {  	s5 =	sadd.s32 $0x1, s5;
	s6 =	sand.u32 @!p2 $0x7, s6;
	s7 =	sadd.s32 @!p2 s3, s7  }
0x3c7: {  	[hbm4b:s7+s6] =	stream.linear.scatter @!p2 [tilespmem:s4], [sflag:$0x7], $0x10, $0x38;
	[tilespmem:$0x1F0F8] =	vst v63  }
.LBB2_51:
0x3c8: {  	s0 =	sadd.s32 s2, s0  }
0x3c9: {  	s2 =	sshrl.u32 s0, $0x2  }
.LBB2_52:
0x3ca: {  	s0 =	simm.s32 $0x7  }
0x3cb: {  	_ =	swait.ge [sflag:s0], s2  }
0x3cc: {  	s1 =	ssub.s32 $0x0, s2;
	[sflag:s0] =	ssyncset.done $0x0  }
0x3cd: {  	[sflag:s0] =	ssyncadd.s32 s1  }
0x3ce: {  	[sflag:s0] =	ssyncpa.u1 $0x1  }
.LBB2_53:
0x3cf: {  	_ =	sfence;
	s0 =	simm.s32 $0x1  }
0x3d0: {  	[sflag:s0] =	ssyncpa.u1 $0x1  }
0x3d1: {  	_ =	strace $0x9000004A  }
0x3d2: {  	[bflag:$0x2] =	sbarrier.arrive $0xFFFF  }
0x3d3: {  	s0 =	rddreg [dreg:$0x3]  }
0x3d4: {  	s0 =	sadd.s32 @!p0 $0x100000, s0  }
0x3d5: {  	[sflag:s0] =	ssyncadd.tile.s32 @!p0 $0x1;
	_ =	shalt  }
.Lfunc_end2:
_tile_overlayer_lowered:
.L_overlay_start_2:
0x3d6: {  	(tag) =	ssettag $0x2  }
0x3d7: {  	s0 =	rddreg [dreg:$0x0];
	s2 =	stileid.u32  }
0x3d8: {  	s1 =	rddreg [dreg:$0x1];
	p0 =	sne.s32 s2, $0x0  }
0x3d9: {  	s3 =	rddreg [dreg:$0x2];
	[bflag:$0x3] =	sbarrier.arrive $0xFFFF;
	s2 =	simm.s32 @!p0 $0x1C01  }
0x3da: {  	[timem:s3], [sflag:s2] =	dma.local @!p0 [hbm:s0], s1  }
0x3db: {  	s0 =	simm.s32 @!p0 $0x1  }
0x3dc: {  	_ =	swait.ge @!p0 [sflag:s0], s1  }
0x3dd: {  	s1 =	ssub.s32 @!p0 $0x0, s1;
	[sflag:s0] =	ssyncset.done @!p0 $0x0  }
0x3de: {  	[sflag:s0] =	ssyncadd.s32 @!p0 s1  }
0x3df: {  	[bflag:$0x3] =	sbarrier.arrive $0xFFFF  }
0x3e0: {  	_ =	shalt  }

// kernel: sparse-core-data-format-call.cloned.1.call-start
scs
called_computation.1_lowered:
.L_overlay_start_0:
0x0: {  	s1 =	sld [smem:$0x3FD9]  }
0x1: {  	s2 =	sld [smem:$0x3FFE];
	_ =	sdelay $0x1  }
0x2: {  	s3 =	srdreg.scid  }
0x3: {  	s0 =	sand.u32 $0x1, s3  }
0x4: {  	s17 =	sshll.u32 s0, $0xA;
	s1 =	sadd.s32 s2, s1  }
0x5: {  	s1 =	sadd.s32 s1, s17  }
0x6: {  	[smem:$0x3FC1] =	sst s1  }
0x7: {  	_ = 	snop  }
0x8: {  	(tm) =	ssettm $0x1  }
0x9: {  	s18 =	sld [smem:$0x3FFB];
	_ =	sdelay $0x3  }
0xa: {  	_ =	strace s18  }
0xb: {  	s1 =	sld [smem:$0x3FFC];
	_ =	sdelay $0x3  }
0xc: {  	_ =	strace s1  }
0xd: {  	s1 =	sld [smem:$0x3FFD];
	_ =	sdelay $0x3  }
0xe: {  	_ =	strace s1  }
0xf: {  	_ =	strace $0x8FFFFFFF  }
0x10: {  	s19 =	sld [smem:$0x3FDB];
	_ =	sdelay $0x1  }
0x11: {  	s20 =	simm.s32 $_scs_section_size  }
0x12: {  	s4 =	simm.s32 $_size__tile_overlayer_lowered;
	s5 =	simm.s32 $_tile_overlayer_lowered  }
0x13: {  	s23 =	simm.s32 $0x1BFF;
	s22 =	sshll.u32 s5, $0x1;
	s1 =	sadd.s32 s20, s19  }
0x14: {  	s6 =	simm.s32 $0x0;
	s21 =	sshll.u32 s4, $0x1;
	s4 =	sadd.s32 s22, s1  }
0x15: {  	[timem:s6], [sflag:s23] =	dma.local [hbm:s4], s21  }
0x16: {  	_ =	swait.ge [sflag:s23], s21  }
0x17: {  	s2 =	ssub.s32 $0x0, s21;
	[sflag:s23] =	ssyncset.done $0x0  }
0x18: {  	[sflag:s23] =	ssyncadd.s32 s2;
	_ =	sdelay $0x1  }
0x19: {  	s24 =	simm.s32 $0x1B8B  }
0x1a: {  	_ =	swait.ge [sflag:s24], $0x1  }
0x1b: {  	[sflag:s24] =	ssyncset.done $0x0  }
0x1c: {  	s26 =	simm.s32 $0x1B8E;
	s25 =	sld [smem:$0x3FFE];
	[sflag:s24] =	ssyncadd.s32 $0xFFFFFFFF  }
0x1d: {  	s27 =	simm.s32 $execute0_lowered;
	[smem:$0x3FD2] =	sst s26  }
0x1e: {  	s4 =	sshll.u32 s27, $0x1;
	_ =	strace $0x80000046;
	[dreg:$0x1] =	wrdreg $0xFFFFFFFF  }
0x1f: {  	s28 =	simm.s32 $_size_execute0_lowered;
	s1 =	sadd.s32 s1, s4;
	[dreg:$0x0] =	wrdreg $0x0  }
0x20: {  	s4 =	sshll.u32 s28, $0x1;
	[dreg:$0x2] =	wrdreg s1  }
0x21: {  	[dreg:$0x3] =	wrdreg s4  }
0x22: {  	[dreg:$0x4] =	wrdreg $0xC0  }
0x23: {  	_ =	task [dreg:s6], $0x5FFFF  }
0x24: {  	[dreg:$0x1] =	wrdreg $0xFFFFFFFF  }
0x25: {  	[dreg:$0x0] =	wrdreg $0x60  }
0x26: {  	[dreg:$0x2] =	wrdreg s25  }
0x27: {  	[dreg:$0x3] =	wrdreg $0x9  }
0x28: {  	_ =	task.clear_ibuf [dreg:s6], $0x4FFFF;
	_ =	strace $0x90000046  }
0x29: {  	s29 =	simm.s32 $0x9;
	_ =	strace $0x80000048  }
0x2a: {  	_ =	swait.ge [sflag:s29], $0x1  }
0x2b: {  	[sflag:s29] =	ssyncadd.s32 $0xFFFFFFFF  }
0x2c: {  	_ =	strace $0x90000048  }
0x2d: {  	_ =	sfence  }
0x2e: {  	s30 =	sld [smem:$0x0];
	_ =	sdelay $0x2  }
0x2f: {  	s31 =	sshll.u32 s3, $0xD;
	s3 =	sshrl.u32 s3, $0x2  }
0x30: {  	s2 =	sand.u32 $0x4000, s31;
	s1 =	sadd.s32 s3, s30  }
0x31: {  	s0 =	sor.u32 s2, s0;
	s1 =	sshll.u32 s1, $0x11  }
0x32: {  	s0 =	sor.u32 s1, s0  }
0x33: {  	s0 =	sadd.s32 $0x8F2B, s0  }
0x34: {  	[sflag:s0] =	ssyncadd.remote.s32 $0x1  }
0x35: {  	_ =	sfence.sel $0xFFFF  }
0x36: {  	[dreg:$0x0] =	wrdreg $0xFFFFFFFF;
	(pc) =	sbr.abs _section_cstart, $3  }
0x37: {  	[dreg:$0x1] =	wrdreg $0xFFFFFFFF  }
0x38: {  	_ =	task.clear_ibuf [dreg:s6], $0x2FFFF;
	_ =	strace $0x9FFFFFFF  }
0x39: {  	(tm) =	ssettm $0x7FFFFFFF  }
tec
execute0_lowered:
.L_overlay_start_1:
0x0: {  	(tag) =	ssettag $0x1  }
0x1: {  	s0 =	srdreg.scid  }
0x2: {  	s6 =	rddreg [dreg:$0x0];
	s7 =	simm.s32 $0x1;
	s1 =	sshll.u32 s0, $0x4  }
0x3: {  	s8 =	simm.s32 $0x2;
	s0 =	stileid.u32;
	s1 =	sand.u32 $0x10, s1  }
0x4: {  	s13 =	simm.s32 $0x0;
	s12 =	simm.s32 $0x0;
	s1 =	sor.u32 s0, s1  }
0x5: {  	s10 =	simm.s32 $0x0;
	s3 =	sadd.s32 $0x526A00, s6;
	s2 =	sshll.u32 s1, $0x9  }
0x6: {  	s11 =	simm.s32 $0x0;
	s6 =	sadd.s32 $0x833E00, s6;
	s5 =	ssub.s32 $0x186A00, s2  }
.Ltmp0:
0x7: {  	s1 =	rddreg [dreg:$0x1];
	s4 =	sand.u32 $0x3E00, s5;
	(pc) =	sbr.rel .LBB1_1-.Ltmp0, $4  }
0x8: {  	_ =	strace $0x80000047;
	s9 =	smov.u32 s2;
	p0 =	sne.s32 s4, $0x0  }
0x9: {  	s5 =	sshrl.u32 s5, $0xE;
	s4 =	simm.s32 $0x1;
	s7 =	simm.s32 @!p0 $0x0  }
0xa: {  	[sflag:s4] =	ssyncpa.u1 $0x0;
	p0 =	por $0x0, $0x0;
	s5 =	sadd.s32 s7, s5  }
0xb: {  	[sflag:s8] =	ssyncpa.u1 $0x0;
	s8 =	simm.s32 $0x80;
	s7 =	sadd.s32 $0x1, s5  }
.LBB1_4:
0xc: {  	_ = 	snop  }
0xd: {  	[tilespmem:s18+$0x1760 ss:$0x11] =	vst.msk $0xffff, v7  }
0xe: {  	[tilespmem:s18+$0x1870 ss:$0x11] =	vst.msk $0xffff, v6  }
0xf: {  	[tilespmem:s18+$0x1A90 ss:$0x11] =	vst.msk $0xffff, v3  }
0x10: {  	s21 =	sor.u32 s24, s23;
	v31 =	vld.idx.msk [tilespmem:v0+s16+$0xC70 ss:$0x1], $0xffff;
	[tilespmem:s18+$0x1BA0 ss:$0x11] =	vst.msk $0xffff, v1  }
0x11: {  	[tilespmem:s18+$0x1CB0 ss:$0x11] =	vst.msk $0xffff, v2;
	v43 =	vld.idx.msk [tilespmem:v0+s21+$0x410 ss:$0x1], $0xffff  }
0x12: {  	[tilespmem:s18+$0x1DC0 ss:$0x11] =	vst.msk $0xffff, v4;
	v44 =	vld.idx.msk [tilespmem:v0+s21+$0x420 ss:$0x1], $0xffff  }
0x13: {  	[tilespmem:s18+$0x1ED0 ss:$0x11] =	vst.msk $0xffff, v5;
	s22 =	sand.u32 $0x1200, s21;
	v45 =	vld.idx.msk [tilespmem:v0+s21+$0x430 ss:$0x1], $0xffff  }
0x14: {  	s20 =	sand.u32 $0x180, s20;
	s25 =	sshra.s32 s19, $0x2;
	[tilespmem:s18+$0x1FE0 ss:$0x11] =	vst.msk $0xffff, v8;
	v46 =	vld.idx.msk [tilespmem:v0+s21+$0x440 ss:$0x1], $0xffff;
	s15 =	sadd.s32 s22, s15  }
0x15: {  	v47 =	vld.idx.msk [tilespmem:v0+s21+$0x450 ss:$0x1], $0xffff;
	s24 =	sadd.s32 s20, s15;
	s15 =	sadd.s32 s25, s17;
	[tilespmem:s18+$0x20F0 ss:$0x11] =	vst.msk $0xffff, v31  }
0x16: {  	v48 =	vld.idx.msk [tilespmem:v0+s21+$0x460 ss:$0x1], $0xffff;
	[tilespmem:s15+$0x990 ss:$0x11] =	vst.msk $0xffff, v43  }
0x17: {  	v49 =	vld.idx.msk [tilespmem:v0+s21+$0x470 ss:$0x1], $0xffff;
	[tilespmem:s15+$0xAA0 ss:$0x11] =	vst.msk $0xffff, v44  }
0x18: {  	v50 =	vld.idx.msk [tilespmem:v0+s21+$0x810 ss:$0x1], $0xffff;
	[tilespmem:s15+$0xBB0 ss:$0x11] =	vst.msk $0xffff, v45  }
0x19: {  	v51 =	vld.idx.msk [tilespmem:v0+s21+$0x820 ss:$0x1], $0xffff;
	[tilespmem:s15+$0xCC0 ss:$0x11] =	vst.msk $0xffff, v46  }
0x1a: {  	v52 =	vld.idx.msk [tilespmem:v0+s21+$0x830 ss:$0x1], $0xffff;
	[tilespmem:s15+$0xDD0 ss:$0x11] =	vst.msk $0xffff, v47  }
0x1b: {  	v53 =	vld.idx.msk [tilespmem:v0+s21+$0x840 ss:$0x1], $0xffff;
	[tilespmem:s15+$0xEE0 ss:$0x11] =	vst.msk $0xffff, v48  }
0x1c: {  	v54 =	vld.idx.msk [tilespmem:v0+s21+$0x850 ss:$0x1], $0xffff;
	[tilespmem:s15+$0xFF0 ss:$0x11] =	vst.msk $0xffff, v49  }
0x1d: {  	v55 =	vld.idx.msk [tilespmem:v0+s21+$0x860 ss:$0x1], $0xffff;
	[tilespmem:s15+$0x1210 ss:$0x11] =	vst.msk $0xffff, v50  }
0x1e: {  	v56 =	vld.idx.msk [tilespmem:v0+s21+$0x870 ss:$0x1], $0xffff;
	[tilespmem:s15+$0x1320 ss:$0x11] =	vst.msk $0xffff, v51  }
0x1f: {  	v57 =	vld.idx.msk [tilespmem:v0+s21+$0xC10 ss:$0x1], $0xffff;
	[tilespmem:s15+$0x1430 ss:$0x11] =	vst.msk $0xffff, v52  }
0x20: {  	v58 =	vld.idx.msk [tilespmem:v0+s21+$0xC20 ss:$0x1], $0xffff;
	[tilespmem:s15+$0x1540 ss:$0x11] =	vst.msk $0xffff, v53  }
0x21: {  	v59 =	vld.idx.msk [tilespmem:v0+s21+$0xC30 ss:$0x1], $0xffff;
	[tilespmem:s15+$0x1650 ss:$0x11] =	vst.msk $0xffff, v54  }
0x22: {  	v60 =	vld.idx.msk [tilespmem:v0+s21+$0xC40 ss:$0x1], $0xffff;
	[tilespmem:s15+$0x1760 ss:$0x11] =	vst.msk $0xffff, v55  }
0x23: {  	v61 =	vld.idx.msk [tilespmem:v0+s21+$0xC50 ss:$0x1], $0xffff;
	[tilespmem:s15+$0x1870 ss:$0x11] =	vst.msk $0xffff, v56  }
0x24: {  	v62 =	vld.idx.msk [tilespmem:v0+s21+$0xC60 ss:$0x1], $0xffff;
	[tilespmem:s15+$0x1A90 ss:$0x11] =	vst.msk $0xffff, v57  }
0x25: {  	v63 =	vld.idx.msk [tilespmem:v0+s21+$0xC70 ss:$0x1], $0xffff;
	[tilespmem:s15+$0x1BA0 ss:$0x11] =	vst.msk $0xffff, v58  }
0x26: {  	v32 =	vld [tilespmem:s24+$0xC00];
	[tilespmem:s15+$0x1CB0 ss:$0x11] =	vst.msk $0xffff, v59  }
0x27: {  	v33 =	vld [tilespmem:s24+$0x0];
	[tilespmem:s15+$0x1DC0 ss:$0x11] =	vst.msk $0xffff, v60  }
0x28: {  	v34 =	vld [tilespmem:s24+$0x10];
	[tilespmem:s15+$0x1ED0 ss:$0x11] =	vst.msk $0xffff, v61  }
0x29: {  	s13 =	sshll.u32 s13, $0x7;
	s26 =	sshll.u32 s12, $0x3;
	v35 =	vld [tilespmem:s24+$0x20];
	[tilespmem:s15+$0x1FE0 ss:$0x11] =	vst.msk $0xffff, v62  }
0x2a: {  	s27 =	sand.u32 $0xFFFFFC00, s13;
	s16 =	sand.u32 $0xFFFFFC00, s26;
	v36 =	vld [tilespmem:s24+$0x30];
	[tilespmem:s15+$0x20F0 ss:$0x11] =	vst.msk $0xffff, v63  }
0x2b: {  	s13 =	sand.u32 $0x380, s13;
	s16 =	sadd.s32 s16, s27;
	v37 =	vld [tilespmem:s24+$0x40];
	[tilespmem:s15+$0x1980 ss:$0x11] =	vst.msk $0xffff, v32  }
0x2c: {  	s13 =	sor.u32 s13, s16;
	v38 =	vld [tilespmem:s24+$0x50];
	[tilespmem:s15+$0x0 ss:$0x11] =	vst.msk $0xffff, v33  }
0x2d: {  	v39 =	vld [tilespmem:s24+$0x60];
	s13 =	sshrl.u32 s13, $0x7;
	[tilespmem:s15+$0x110 ss:$0x11] =	vst.msk $0xffff, v34  }
0x2e: {  	v40 =	vld [tilespmem:s24+$0x70];
	s28 =	smulhi.u32 $0x14F8B59, s13;
	[tilespmem:s15+$0x220 ss:$0x11] =	vst.msk $0xffff, v35  }
0x2f: {  	v41 =	vld [tilespmem:s24+$0x400];
	[tilespmem:s15+$0x330 ss:$0x11] =	vst.msk $0xffff, v36  }
0x30: {  	v42 =	vld [tilespmem:s24+$0x800];
	s16 =	sshrl.u32 s28, $0xD;
	[tilespmem:s15+$0x440 ss:$0x11] =	vst.msk $0xffff, v37  }
0x31: {  	s16 =	smul.u32 $0x186A00, s16;
	[tilespmem:s15+$0x550 ss:$0x11] =	vst.msk $0xffff, v38  }
0x32: {  	s29 =	sshrl.u32 s12, $0x3;
	[tilespmem:s15+$0x660 ss:$0x11] =	vst.msk $0xffff, v39  }
0x33: {  	s31 =	sand.u32 $0x7, s12;
	s30 =	sand.u32 $0xF, s29;
	[tilespmem:s15+$0x770 ss:$0x11] =	vst.msk $0xffff, v40;
	s13 =	ssub.s32 s13, s16  }
0x34: {  	s12 =	sshll.u32 s31, $0x12;
	[tilespmem:s15+$0x880 ss:$0x11] =	vst.msk $0xffff, v41;
	s16 =	sadd.s32 s6, s30;
	s13 =	sshll.u32 s13, $0x4  }
0x35: {  	s12 =	sor.u32 $0x10, s12;
	[tilespmem:s15+$0x1100 ss:$0x11] =	vst.msk $0xffff, v42;
	s13 =	sadd.s32 s13, s16  }
0x36: {  	[hbm4b:s13+s12] =	stream.strided.scatter [tilespmem:s14], [sflag:$0x2], $0x2000, s8, s12, $0x8;
	[tilespmem:$0x8400] =	vst v63  }
.LBB1_5:
0x37: {  	s14 =	sadd.s32 $0x4000, s9  }
0x38: {  	s12 =	sadd.s32 $0x10, s10;
	s16 =	smov.u32 s10;
	p2 =	sgt.s32 s14, $0x1869FF  }
0x39: {  	s16 =	smov.u32 @p2 s12  }
0x3a: {  	s14 =	smov.u32 @p2 s2;
	p2 =	sgt.s32 s16, $0xF  }
0x3b: {  	s16 =	simm.s32 @p2 $0x0;
	p2 =	sne.s32 s11, s7  }
.Ltmp1:
0x3c: {  	p1 =	slt.u32 s11, $0x2;
	(pc) =	sbr.rel @!p2 .LBB1_6-.Ltmp1, $4  }
0x3d: {  	s15 =	simm.s32 @!p1 $0x2  }
0x3e: {  	s13 =	smov.u32 s9;
	p0 =	por !p0, !p0;
	_ =	swait.ge @!p1 [sflag:s15], $0x2000  }
0x3f: {  	s12 =	smov.u32 s10;
	[sflag:s15] =	ssyncset.done @!p1 $0x0;
	s9 =	smov.u32 s14  }
0x40: {  	s11 =	sadd.s32 $0x1, s11;
	[sflag:s15] =	ssyncadd.s32 @!p1 $0xFFFFE000;
	s10 =	smov.u32 s16  }
.LBB1_1:
0x41: {  	p1 =	sge.u32 s11, s5  }
0x42: {  	s14 =	sshrl.u32 @!p1 s10, $0x3  }
0x43: {  	s15 =	sshll.u32 @!p1 s9, $0x3;
	s14 =	smul.u32 @!p1 $0xC35000, s14  }
0x44: {  	s16 =	sshll.u32 @!p1 s10, $0x7;
	s15 =	sand.u32 @!p1 $0xFFFFFC00, s15  }
0x45: {  	s14 =	sadd.s32 @!p1 s14, s15;
	s15 =	sand.u32 @!p1 $0x380, s16  }
0x46: {  	s14 =	sor.u32 @!p1 s15, s14  }
0x47: {  	s15 =	sshrl.u32 @!p1 s14, $0x9  }
0x48: {  	s15 =	smulhi.u32 @!p1 $0xA7C5AD, s15;
	_ =	sdelay $0x1  }
0x49: {  	s15 =	sshrl.u32 @!p1 s15, $0x3  }
0x4a: {  	s16 =	sand.u32 @!p1 $0x7F, s9;
	s17 =	smul.u32 @!p1 $0x186A00, s15  }
0x4b: {  	s31 =	sadd.s32 $0xFFFFFFFF, s11;
	s14 =	sor.u32 @!p1 s16, s14;
	s16 =	sxor.u32 @!p1 $0xFFFFFFFF, s11  }
0x4c: {  	s16 =	sshll.u32 @!p1 s16, $0xD;
	s15 =	sand.u32 @!p1 $0xF, s15;
	s14 =	ssub.s32 @!p1 s14, s17  }
0x4d: {  	s15 =	smul.u32 @!p1 $0x30D40, s15;
	s17 =	sshrl.u32 @!p1 s14, $0x3;
	s14 =	sand.u32 @!p1 $0x7, s14  }
0x4e: {  	s16 =	sand.u32 @!p1 $0x2000, s16;
	s17 =	sadd.s32 @!p1 s3, s17;
	s14 =	sshll.u32 @!p1 s14, $0x12  }
0x4f: {  	s15 =	sadd.s32 @!p1 s15, s17;
	s14 =	sor.u32 @!p1 $0x1000, s14;
	s17 =	simm.s32 @!p1 $0xC35000  }
0x50: {  	[tilespmem:s16], [sflag:$0x1] =	stream.strided.gather @!p1 [hbm4b:s15+s14], $0x2000, s17, s14, $0x38;
	[tilespmem:$0x8400] =	vst v63  }
0x51: {  	p1 =	sge.u32 s31, s5  }
.Ltmp2:
0x52: {  	_ = 	snop;
	(pc) =	sbr.rel @p1 .LBB1_5-.Ltmp2, $1  }
0x53: {  	_ =	sdelay $0x3  }
0x54: {  	s17 =	simm.s32 $0x0  }
0x55: {  	s16 =	sand.u32 $0x1000, s17;
	s18 =	sand.u32 $0x380, s17  }
0x56: {  	s14 =	sand.u32 $0x1, s11;
	s16 =	sor.u32 s18, s16  }
0x57: {  	_ =	swait.ge [sflag:s4], $0x2000;
	s15 =	sshll.u32 s14, $0xD;
	s18 =	sand.u32 $0x1200, s16  }
0x58: {  	[sflag:s4] =	ssyncset.done $0x0;
	s17 =	sand.u32 $0x180, s17;
	s18 =	sadd.s32 s18, s15  }
0x59: {  	[sflag:s4] =	ssyncadd.s32 $0xFFFFE000;
	s20 =	sadd.s32 s17, s18  }
0x5a: {  	v4 =	vld [tilespmem:s20+$0xC00]  }
0x5b: {  	s19 =	simm.s32 $0x1;
	v0 =	vmov s15;
	v5 =	vld [tilespmem:s20+$0x0]  }
0x5c: {  	s19 =	simm.s32 @!p0 $0x0;
	v6 =	vld [tilespmem:s20+$0x10]  }
0x5d: {  	s31 =	smul.u32 $0x8800, s19;
	v7 =	vld [tilespmem:s20+$0x20]  }
0x5e: {  	v8 =	vld [tilespmem:s20+$0x30]  }
0x5f: {  	s17 =	sshrl.u32 s31, $0x2;
	v9 =	vld [tilespmem:s20+$0x40]  }
0x60: {  	s17 =	sor.u32 $0x4000, s17;
	v1 =	vld.idx.msk [tilespmem:v0+s16+$0x410 ss:$0x1], $0xffff  }
0x61: {  	v2 =	vld.idx.msk [tilespmem:v0+s16+$0x420 ss:$0x1], $0xffff;
	s18 =	sadd.s32 $0x0, s17  }
0x62: {  	v3 =	vld.idx.msk [tilespmem:v0+s16+$0x430 ss:$0x1], $0xffff;
	[tilespmem:s18+$0x1980 ss:$0x11] =	vst.msk $0xffff, v4  }
0x63: {  	v10 =	vld.idx.msk [tilespmem:v0+s16+$0x820 ss:$0x1], $0xffff;
	[tilespmem:s18+$0x0 ss:$0x11] =	vst.msk $0xffff, v5  }
0x64: {  	v11 =	vld.idx.msk [tilespmem:v0+s16+$0x830 ss:$0x1], $0xffff;
	[tilespmem:s18+$0x110 ss:$0x11] =	vst.msk $0xffff, v6  }
0x65: {  	v12 =	vld.idx.msk [tilespmem:v0+s16+$0x840 ss:$0x1], $0xffff;
	[tilespmem:s18+$0x220 ss:$0x11] =	vst.msk $0xffff, v7  }
0x66: {  	v13 =	vld.idx.msk [tilespmem:v0+s16+$0x850 ss:$0x1], $0xffff;
	[tilespmem:s18+$0x330 ss:$0x11] =	vst.msk $0xffff, v8  }
0x67: {  	v4 =	vld [tilespmem:s20+$0x50];
	[tilespmem:s18+$0x440 ss:$0x11] =	vst.msk $0xffff, v9  }
0x68: {  	v5 =	vld [tilespmem:s20+$0x60];
	[tilespmem:s18+$0x990 ss:$0x11] =	vst.msk $0xffff, v1  }
0x69: {  	v6 =	vld [tilespmem:s20+$0x70];
	[tilespmem:s18+$0xAA0 ss:$0x11] =	vst.msk $0xffff, v2  }
0x6a: {  	v7 =	vld [tilespmem:s20+$0x400];
	[tilespmem:s18+$0xBB0 ss:$0x11] =	vst.msk $0xffff, v3  }
0x6b: {  	v8 =	vld [tilespmem:s20+$0x800];
	[tilespmem:s18+$0x1320 ss:$0x11] =	vst.msk $0xffff, v10  }
0x6c: {  	v9 =	vld.idx.msk [tilespmem:v0+s16+$0x470 ss:$0x1], $0xffff;
	[tilespmem:s18+$0x1430 ss:$0x11] =	vst.msk $0xffff, v11  }
0x6d: {  	v3 =	vld.idx.msk [tilespmem:v0+s16+$0xC10 ss:$0x1], $0xffff;
	[tilespmem:s18+$0x1540 ss:$0x11] =	vst.msk $0xffff, v12  }
0x6e: {  	v1 =	vld.idx.msk [tilespmem:v0+s16+$0xC20 ss:$0x1], $0xffff;
	[tilespmem:s18+$0x1650 ss:$0x11] =	vst.msk $0xffff, v13  }
0x6f: {  	v2 =	vld.idx.msk [tilespmem:v0+s16+$0xC30 ss:$0x1], $0xffff;
	[tilespmem:s18+$0x550 ss:$0x11] =	vst.msk $0xffff, v4  }
0x70: {  	[tilespmem:s18+$0x770 ss:$0x11] =	vst.msk $0xffff, v6;
	v6 =	vld.idx.msk [tilespmem:v0+s16+$0x460 ss:$0x1], $0xffff  }
0x71: {  	v4 =	vld.idx.msk [tilespmem:v0+s16+$0x440 ss:$0x1], $0xffff;
	[tilespmem:s18+$0x660 ss:$0x11] =	vst.msk $0xffff, v5  }
0x72: {  	v5 =	vld.idx.msk [tilespmem:v0+s16+$0x450 ss:$0x1], $0xffff;
	[tilespmem:s18+$0x880 ss:$0x11] =	vst.msk $0xffff, v7  }
0x73: {  	[tilespmem:s18+$0x1100 ss:$0x11] =	vst.msk $0xffff, v8;
	v8 =	vld.idx.msk [tilespmem:v0+s16+$0x810 ss:$0x1], $0xffff  }
0x74: {  	v7 =	vld.idx.msk [tilespmem:v0+s16+$0x860 ss:$0x1], $0xffff;
	[tilespmem:s18+$0xFF0 ss:$0x11] =	vst.msk $0xffff, v9  }
0x75: {  	s14 =	smul.u32 $0x8800, s14;
	[tilespmem:s18+$0xEE0 ss:$0x11] =	vst.msk $0xffff, v6;
	v6 =	vld.idx.msk [tilespmem:v0+s16+$0x870 ss:$0x1], $0xffff  }
0x76: {  	s21 =	simm.s32 $0x200;
	s22 =	simm.s32 $0x8;
	[tilespmem:s18+$0xCC0 ss:$0x11] =	vst.msk $0xffff, v4;
	v4 =	vld.idx.msk [tilespmem:v0+s16+$0xC40 ss:$0x1], $0xffff  }
0x77: {  	s23 =	sand.u32 $0x1000, s21;
	s14 =	sshrl.u32 s14, $0x2;
	s20 =	simm.s32 $0x80;
	[tilespmem:s18+$0xDD0 ss:$0x11] =	vst.msk $0xffff, v5;
	v5 =	vld.idx.msk [tilespmem:v0+s16+$0xC50 ss:$0x1], $0xffff  }
0x78: {  	s19 =	simm.s32 $0x4;
	s14 =	sor.u32 $0x4000, s14;
	s24 =	sand.u32 $0x380, s20;
	[tilespmem:s18+$0x1210 ss:$0x11] =	vst.msk $0xffff, v8;
	v8 =	vld.idx.msk [tilespmem:v0+s16+$0xC60 ss:$0x1], $0xffff  }
.LBB1_3:
0x79: {  	p1 =	sne.s32 s22, $0x3C;
	[tilespmem:s18+$0x1760 ss:$0x11] =	vst.msk $0xffff, v7;
	v7 =	vld.idx.msk [tilespmem:v0+s16+$0xC70 ss:$0x1], $0xffff;
	s16 =	sor.u32 s24, s23  }
0x7a: {  	s23 =	sand.u32 $0x1200, s16;
	v9 =	vld.idx.msk [tilespmem:v0+s16+$0x410 ss:$0x1], $0xffff;
	[tilespmem:s18+$0x1870 ss:$0x11] =	vst.msk $0xffff, v6  }
0x7b: {  	s24 =	sand.u32 $0x180, s20;
	s23 =	sadd.s32 s23, s15;
	v6 =	vld.idx.msk [tilespmem:v0+s16+$0x420 ss:$0x1], $0xffff;
	[tilespmem:s18+$0x1A90 ss:$0x11] =	vst.msk $0xffff, v3  }
0x7c: {  	s23 =	sadd.s32 s24, s23;
	v3 =	vld.idx.msk [tilespmem:v0+s16+$0x430 ss:$0x1], $0xffff;
	[tilespmem:s18+$0x1BA0 ss:$0x11] =	vst.msk $0xffff, v1  }
0x7d: {  	v1 =	vld [tilespmem:s23+$0xC00];
	[tilespmem:s18+$0x1CB0 ss:$0x11] =	vst.msk $0xffff, v2  }
0x7e: {  	v2 =	vld [tilespmem:s23+$0x0];
	[tilespmem:s18+$0x1DC0 ss:$0x11] =	vst.msk $0xffff, v4  }
0x7f: {  	v4 =	vld [tilespmem:s23+$0x10];
	[tilespmem:s18+$0x1ED0 ss:$0x11] =	vst.msk $0xffff, v5  }
0x80: {  	s24 =	sshra.s32 s19, $0x2;
	s19 =	smov.u32 s22;
	v5 =	vld [tilespmem:s23+$0x20];
	[tilespmem:s18+$0x1FE0 ss:$0x11] =	vst.msk $0xffff, v8  }
0x81: {  	v8 =	vld [tilespmem:s23+$0x30];
	[tilespmem:s18+$0x20F0 ss:$0x11] =	vst.msk $0xffff, v7;
	s18 =	sadd.s32 s24, s17  }
0x82: {  	v7 =	vld [tilespmem:s23+$0x40];
	[tilespmem:s18+$0x1980 ss:$0x11] =	vst.msk $0xffff, v1  }
0x83: {  	[tilespmem:s18+$0x0 ss:$0x11] =	vst.msk $0xffff, v2;
	v1 =	vld [tilespmem:s23+$0x50]  }
0x84: {  	[tilespmem:s18+$0x110 ss:$0x11] =	vst.msk $0xffff, v4;
	v2 =	vld [tilespmem:s23+$0x60]  }
0x85: {  	[tilespmem:s18+$0x220 ss:$0x11] =	vst.msk $0xffff, v5;
	v4 =	vld [tilespmem:s23+$0x70]  }
0x86: {  	[tilespmem:s18+$0x330 ss:$0x11] =	vst.msk $0xffff, v8;
	v5 =	vld [tilespmem:s23+$0x400]  }
0x87: {  	[tilespmem:s18+$0x440 ss:$0x11] =	vst.msk $0xffff, v7;
	v7 =	vld [tilespmem:s23+$0x800]  }
0x88: {  	[tilespmem:s18+$0x550 ss:$0x11] =	vst.msk $0xffff, v1;
	v1 =	vld.idx.msk [tilespmem:v0+s16+$0x440 ss:$0x1], $0xffff  }
0x89: {  	[tilespmem:s18+$0x660 ss:$0x11] =	vst.msk $0xffff, v2;
	v2 =	vld.idx.msk [tilespmem:v0+s16+$0x450 ss:$0x1], $0xffff  }
0x8a: {  	[tilespmem:s18+$0x770 ss:$0x11] =	vst.msk $0xffff, v4;
	v4 =	vld.idx.msk [tilespmem:v0+s16+$0x460 ss:$0x1], $0xffff  }
0x8b: {  	[tilespmem:s18+$0x880 ss:$0x11] =	vst.msk $0xffff, v5;
	v5 =	vld.idx.msk [tilespmem:v0+s16+$0x470 ss:$0x1], $0xffff  }
0x8c: {  	[tilespmem:s18+$0x1100 ss:$0x11] =	vst.msk $0xffff, v7;
	v8 =	vld.idx.msk [tilespmem:v0+s16+$0x810 ss:$0x1], $0xffff  }
0x8d: {  	[tilespmem:s18+$0x990 ss:$0x11] =	vst.msk $0xffff, v9;
	v9 =	vld.idx.msk [tilespmem:v0+s16+$0x820 ss:$0x1], $0xffff  }
0x8e: {  	[tilespmem:s18+$0xAA0 ss:$0x11] =	vst.msk $0xffff, v6;
	v10 =	vld.idx.msk [tilespmem:v0+s16+$0x830 ss:$0x1], $0xffff  }
0x8f: {  	[tilespmem:s18+$0xBB0 ss:$0x11] =	vst.msk $0xffff, v3;
	v11 =	vld.idx.msk [tilespmem:v0+s16+$0x840 ss:$0x1], $0xffff  }
0x90: {  	[tilespmem:s18+$0xCC0 ss:$0x11] =	vst.msk $0xffff, v1;
	v12 =	vld.idx.msk [tilespmem:v0+s16+$0x850 ss:$0x1], $0xffff  }
0x91: {  	[tilespmem:s18+$0xDD0 ss:$0x11] =	vst.msk $0xffff, v2;
	v7 =	vld.idx.msk [tilespmem:v0+s16+$0x860 ss:$0x1], $0xffff  }
0x92: {  	[tilespmem:s18+$0xEE0 ss:$0x11] =	vst.msk $0xffff, v4;
	v6 =	vld.idx.msk [tilespmem:v0+s16+$0x870 ss:$0x1], $0xffff  }
0x93: {  	[tilespmem:s18+$0xFF0 ss:$0x11] =	vst.msk $0xffff, v5;
	v3 =	vld.idx.msk [tilespmem:v0+s16+$0xC10 ss:$0x1], $0xffff  }
.Ltmp3:
0x94: {  	[tilespmem:s18+$0x1210 ss:$0x11] =	vst.msk $0xffff, v8;
	v1 =	vld.idx.msk [tilespmem:v0+s16+$0xC20 ss:$0x1], $0xffff;
	(pc) =	sbr.rel @p1 .LBB1_3-.Ltmp3, $4  }
0x95: {  	[tilespmem:s18+$0x1320 ss:$0x11] =	vst.msk $0xffff, v9;
	v2 =	vld.idx.msk [tilespmem:v0+s16+$0xC30 ss:$0x1], $0xffff  }
0x96: {  	[tilespmem:s18+$0x1430 ss:$0x11] =	vst.msk $0xffff, v10;
	v4 =	vld.idx.msk [tilespmem:v0+s16+$0xC40 ss:$0x1], $0xffff  }
0x97: {  	s20 =	sadd.s32 $0x80, s20;
	s21 =	sadd.s32 $0x200, s21;
	[tilespmem:s18+$0x1540 ss:$0x11] =	vst.msk $0xffff, v11;
	v5 =	vld.idx.msk [tilespmem:v0+s16+$0xC50 ss:$0x1], $0xffff  }
0x98: {  	s22 =	sadd.s32 $0x4, s22;
	s24 =	sand.u32 $0x380, s20;
	s23 =	sand.u32 $0x1000, s21;
	[tilespmem:s18+$0x1650 ss:$0x11] =	vst.msk $0xffff, v12;
	v8 =	vld.idx.msk [tilespmem:v0+s16+$0xC60 ss:$0x1], $0xffff  }
.Ltmp4:
0x99: {  	_ = 	snop;
	(pc) =	sbr.rel .LBB1_4-.Ltmp4, $1  }
0x9a: {  	_ =	sdelay $0x3  }
.LBB1_6:
0x9b: {  	_ =	sfence.sel $0x180000  }
0x9c: {  	s2 =	simm.s32 $0x1;
	[bflag:$0x0] =	sbarrier.arrive $0xFFFF  }
0x9d: {  	s31 =	simm.s32 $0x2;
	[sflag:s2] =	ssyncpa.u1 $0x1  }
0x9e: {  	[sflag:s31] =	ssyncpa.u1 $0x1  }
0x9f: {  	p0 =	sne.s32 s0, $0x0;
	_ =	strace $0x90000047  }
0xa0: {  	s0 =	sadd.s32 @!p0 $0x100000, s1;
	[bflag:$0x2] =	sbarrier.arrive $0xFFFF  }
0xa1: {  	[sflag:s0] =	ssyncadd.tile.s32 @!p0 $0x1;
	_ =	shalt  }
.Lfunc_end1:
_tile_overlayer_lowered:
.L_overlay_start_2:
0xa2: {  	(tag) =	ssettag $0x2  }
0xa3: {  	s0 =	rddreg [dreg:$0x0];
	s2 =	stileid.u32  }
0xa4: {  	s1 =	rddreg [dreg:$0x1];
	p0 =	sne.s32 s2, $0x0  }
0xa5: {  	s3 =	rddreg [dreg:$0x2];
	[bflag:$0x3] =	sbarrier.arrive $0xFFFF;
	s2 =	simm.s32 @!p0 $0x1C01  }
0xa6: {  	[timem:s3], [sflag:s2] =	dma.local @!p0 [hbm:s0], s1  }
0xa7: {  	s0 =	simm.s32 @!p0 $0x1  }
0xa8: {  	_ =	swait.ge @!p0 [sflag:s0], s1  }
0xa9: {  	s1 =	ssub.s32 @!p0 $0x0, s1;
	[sflag:s0] =	ssyncset.done @!p0 $0x0  }
0xaa: {  	[sflag:s0] =	ssyncadd.s32 @!p0 s1  }
0xab: {  	[bflag:$0x3] =	sbarrier.arrive $0xFFFF  }
0xac: {  	_ =	shalt  }

</sc_bundles>
